<compile_context>
chip_gen: v7x
topology: tpu7x:2x2x1
jax: 0.10.2.dev20260603
libtpu: 0.0.44.dev20260713+nightly
codegen_flags: <defaults>
</compile_context>

<pallas_src>
import functools

import numpy as np

import jax
import jax.numpy as jnp
from jax import lax
from jax.experimental import pallas as pl
from jax.experimental.pallas import tpu as pltpu
from jax.experimental.pallas import tpu_sc as plsc

_NC = 2
_NS = 16
_NW = _NC * _NS

_CAP_FACTOR = 1.25
_TS = 512
_FC = 1024
_ROWCHUNK = 32


def _gelu(v):
    return 0.5 * v * (1.0 + lax.erf(v * np.float32(1.0 / np.sqrt(2.0))))


def _nt(a, b):
    return lax.dot_general(
        a.astype(jnp.bfloat16), b.astype(jnp.bfloat16),
        (((1,), (1,)), ((), ())), preferred_element_type=jnp.float32)


def _nn(a, b):
    return lax.dot_general(
        a.astype(jnp.bfloat16), b.astype(jnp.bfloat16),
        (((1,), (0,)), ((), ())), preferred_element_type=jnp.float32)


def _router_body(m, cap, trash_row, xpass_base,
                 x_ref, w1_ref, b1_ref, w2_ref, b2_ref,
                 logits_ref, dest_ref, g_ref, run_ref):
    i = pl.program_id(0)

    @pl.when(i == 0)
    def _():
        run_ref[...] = jnp.zeros_like(run_ref)

    h = _gelu(_nt(x_ref[...], w1_ref[...]) + b1_ref[...])
    lg = _nt(h, w2_ref[...]) + b2_ref[...]
    logits_ref[...] = lg

    mx = jnp.max(lg, axis=1, keepdims=True)
    lane = lax.broadcasted_iota(jnp.int32, lg.shape, 1)
    idxv = jnp.min(jnp.where(lg == mx, lane, m), axis=1, keepdims=True)

    oh = (lane == idxv).astype(jnp.float32)
    r = lax.broadcasted_iota(jnp.int32, (_TS, _TS), 0)
    c = lax.broadcasted_iota(jnp.int32, (_TS, _TS), 1)
    tri = (r >= c).astype(jnp.float32)
    counts = _nn(tri, oh)
    run = run_ref[...]
    pos = jnp.sum(oh * (counts + run), axis=1, keepdims=True) - 1.0
    run_ref[...] = run + counts[_TS - 1:_TS, :]

    pos = pos.astype(jnp.int32)
    maskv = pos < cap
    destv = idxv * cap + pos
    dest_ref[...] = jnp.where(maskv, destv, trash_row)
    tok = i * _TS + lax.broadcasted_iota(jnp.int32, (_TS, 1), 0)
    g_ref[...] = jnp.where(maskv, destv, xpass_base + tok)


def _router(x_flat, w1_w, w1_b, w2_w, w2_b, m, cap, trash_row, xpass_base):
    t, d = x_flat.shape
    dm = w1_w.shape[0]
    grid = (t // _TS,)
    body = functools.partial(_router_body, m, cap, trash_row, xpass_base)
    return pl.pallas_call(
        body,
        grid=grid,
        in_specs=[
            pl.BlockSpec((_TS, d), lambda i: (i, 0)),
            pl.BlockSpec((dm, d), lambda i: (0, 0)),
            pl.BlockSpec((1, dm), lambda i: (0, 0)),
            pl.BlockSpec((m, dm), lambda i: (0, 0)),
            pl.BlockSpec((1, m), lambda i: (0, 0)),
        ],
        out_specs=[
            pl.BlockSpec((_TS, m), lambda i: (i, 0)),
            pl.BlockSpec((_TS, 1), lambda i: (i, 0)),
            pl.BlockSpec((_TS, 1), lambda i: (i, 0)),
        ],
        out_shape=[
            jax.ShapeDtypeStruct((t, m), jnp.float32),
            jax.ShapeDtypeStruct((t, 1), jnp.int32),
            jax.ShapeDtypeStruct((t, 1), jnp.int32),
        ],
        scratch_shapes=[pltpu.VMEM((1, m), jnp.float32)],
    )(x_flat, w1_w, w1_b, w2_w, w2_b)


def _dispatch(x_flat, dest3, n_rows, xpass_base):
    t, d = x_flat.shape
    per_w = t // _NW
    nchunk = per_w // _ROWCHUNK
    mesh = plsc.VectorSubcoreMesh(core_axis_name="c", subcore_axis_name="s")

    @functools.partial(
        pl.kernel, mesh=mesh,
        out_type=jax.ShapeDtypeStruct((n_rows, d), jnp.float32),
        scratch_types=[
            pltpu.VMEM((nchunk, _ROWCHUNK), jnp.int32),
            pltpu.VMEM((_ROWCHUNK, d), jnp.float32),
            pltpu.SemaphoreType.DMA,
        ],
    )
    def k(x_hbm, dest_hbm, t1_hbm, dest_v, rows_v, sem):
        wid = lax.axis_index("s") * _NC + lax.axis_index("c")
        base = wid * per_w
        pltpu.sync_copy(dest_hbm.at[wid], dest_v)
        for j in range(nchunk):
            r0 = base + j * _ROWCHUNK
            pltpu.sync_copy(x_hbm.at[pl.ds(r0, _ROWCHUNK)], rows_v)
            pltpu.sync_copy(rows_v, t1_hbm.at[pl.ds(xpass_base + r0, _ROWCHUNK)])
            pltpu.async_copy(rows_v, t1_hbm.at[dest_v.at[j]], sem).wait()

    return k(x_flat, dest3)


def _experts(t1, mlp1, mlp2, m, cap):
    n_rows, d = t1.shape
    dm = mlp1.shape[2]
    nf = dm // _FC

    def body(t1_ref, w1_ref, w2_ref, out_ref, acc_ref):
        f = pl.program_id(1)
        h = _gelu(_nn(t1_ref[...], w1_ref[0]))
        p = _nn(h, w2_ref[0])

        @pl.when(f == 0)
        def _():
            acc_ref[...] = p

        @pl.when(f > 0)
        def _():
            acc_ref[...] += p

        @pl.when(f == nf - 1)
        def _():
            out_ref[...] = acc_ref[...]

    return pl.pallas_call(
        body,
        grid=(m, nf),
        in_specs=[
            pl.BlockSpec((cap, d), lambda e, f: (e, 0)),
            pl.BlockSpec((1, d, _FC), lambda e, f: (e, 0, f)),
            pl.BlockSpec((1, _FC, d), lambda e, f: (e, f, 0)),
        ],
        out_specs=pl.BlockSpec((cap, d), lambda e, f: (e, 0)),
        out_shape=jax.ShapeDtypeStruct((n_rows, d), jnp.float32),
        scratch_shapes=[pltpu.VMEM((cap, d), jnp.float32)],
        input_output_aliases={0: 0},
    )(t1, mlp1, mlp2)


def _combine(t2, g3, t, d):
    per_w = t // _NW
    nchunk = per_w // _ROWCHUNK
    mesh = plsc.VectorSubcoreMesh(core_axis_name="c", subcore_axis_name="s")

    @functools.partial(
        pl.kernel, mesh=mesh,
        out_type=jax.ShapeDtypeStruct((t, d), jnp.float32),
        scratch_types=[
            pltpu.VMEM((nchunk, _ROWCHUNK), jnp.int32),
            pltpu.VMEM((_ROWCHUNK, d), jnp.float32),
            pltpu.SemaphoreType.DMA,
        ],
    )
    def k(t2_hbm, g_hbm, out_hbm, g_v, rows_v, sem):
        wid = lax.axis_index("s") * _NC + lax.axis_index("c")
        base = wid * per_w
        pltpu.sync_copy(g_hbm.at[wid], g_v)
        for j in range(nchunk):
            pltpu.async_copy(t2_hbm.at[g_v.at[j]], rows_v, sem).wait()
            pltpu.sync_copy(rows_v, out_hbm.at[pl.ds(base + j * _ROWCHUNK, _ROWCHUNK)])

    return k(t2, g3)


def kernel(x, mlp1, mlp2, w1_w, w1_b, w2_w, w2_b):
    b, s, d = x.shape
    t = b * s
    m = mlp1.shape[0]
    cap = int(t * _CAP_FACTOR // m)
    trash_row = m * cap
    xpass_base = m * cap + 8
    n_rows = xpass_base + t

    x_flat = x.reshape(t, d)
    logits, dest, g = _router(
        x_flat, w1_w, w1_b.reshape(1, -1), w2_w, w2_b.reshape(1, -1),
        m, cap, trash_row, xpass_base)

    dest3 = dest.reshape(_NW, t // _NW // _ROWCHUNK, _ROWCHUNK)
    g3 = g.reshape(_NW, t // _NW // _ROWCHUNK, _ROWCHUNK)

    t1 = _dispatch(x_flat, dest3, n_rows, xpass_base)
    t2 = _experts(t1, mlp1, mlp2, m, cap)
    out_flat = _combine(t2, g3, t, d)
    return out_flat.reshape(b, s, d), logits.reshape(b, s, m)

# --- scband reference (transcript-rebuilt; emitter-appended) ---
"""Pipeline reference for scband-mo-emlp-31997506355700 (READ-ONLY COPY).

The authoritative reference and input builder live on the scoring server;
editing this copy changes nothing except your own understanding.
"""

import jax, jax.numpy as jnp
import numpy as np

D = 1024
M = 8
MULT = 4
C = 1.25
B = 2
S = 2048


def setup_inputs(seed: int = 0):
    key = jax.random.key(seed)
    ks = jax.random.split(key, 5)
    d, m, mult = D, M, MULT
    x = jax.random.normal(ks[0], (B, S, d), dtype=jnp.float32)
    mlp1 = jax.random.normal(ks[1], (m, d, d * mult), dtype=jnp.float32) / d ** 0.5
    mlp2 = jax.random.normal(ks[2], (m, d * mult, d), dtype=jnp.float32) / (d * mult) ** 0.5
    w1_w = jax.random.normal(ks[3], (d * mult, d), dtype=jnp.float32) * (1.0 / d ** 0.5)
    w1_b = jnp.zeros((d * mult,), jnp.float32)
    w2_w = jax.random.normal(ks[4], (m, d * mult), dtype=jnp.float32) * (1.0 / (d * mult) ** 0.5)
    w2_b = jnp.zeros((m,), jnp.float32)
    return {"x": x, "mlp1": mlp1, "mlp2": mlp2, "w1_w": w1_w, "w1_b": w1_b, "w2_w": w2_w, "w2_b": w2_b}


def reference(x, mlp1, mlp2, w1_w, w1_b, w2_w, w2_b):
    b, s, d = x.shape
    m = M
    cap = int(b * s * C // m)
    x_flat = x.reshape(-1, d)
    # Router: w2(gelu(w1(x))) ; torch nn.GELU() default is exact erf
    h = jax.nn.gelu(x @ w1_w.T + w1_b, approximate=False)
    logits = h @ w2_w.T + w2_b  # (b, s, m)
    idx = jnp.argmax(logits, axis=-1).reshape(-1)  # top-1 expert per token
    oh = jax.nn.one_hot(idx, m, dtype=jnp.int32)
    counts = jnp.cumsum(oh, axis=0)
    pos = jnp.take_along_axis(counts, idx[:, None], axis=1)[:, 0] - 1  # slot within expert
    mask = pos < cap  # capacity drop
    # scatter tokens into expert buffers; dropped tokens routed to padding row m*cap
    dest = jnp.where(mask, idx * cap + pos, m * cap)
    flat_inputs = jnp.zeros((m * cap + 1, d), x.dtype).at[dest].set(x_flat)[: m * cap]
    expert_inputs = flat_inputs.reshape(m, cap, d)
    h1 = jax.nn.gelu(jnp.einsum('mcd,mdf->mcf', expert_inputs, mlp1), approximate=False)
    expert_outputs = jnp.einsum('mcf,mfd->mcd', h1, mlp2)
    flat_out = expert_outputs.reshape(m * cap, d)
    safe = jnp.where(mask, idx * cap + pos, 0)
    gathered = flat_out[safe]
    out = jnp.where(mask[:, None], gathered, x_flat).reshape(b, s, d)
    return out, logits

if __name__ == "__main__":
    import jax
    _d = setup_inputs()
    print(jax.jit(kernel)(*tuple(_d.values())))

</pallas_src>

<mosaic_0001>
#map = affine_map<(d0, d1) -> (0, 0)>
#map1 = affine_map<(d0, d1) -> (0, 0, 0)>
module attributes {stable_mosaic.version = 14 : i64} {
  func.func @k(%arg0: i32, %arg1: i32, %arg2: memref<9224x1024xf32, #tpu.memory_space<hbm>>, %arg3: memref<32x4x32xi32, #tpu.memory_space<hbm>>, %arg4: memref<4096x1024xf32, #tpu.memory_space<hbm>>, %arg5: memref<4x32xi32, #tpu.memory_space<vmem>>, %arg6: memref<32x1024xf32, #tpu.memory_space<vmem>>, %arg7: memref<!tpu.dma_semaphore, #tpu.memory_space<semaphore_mem>>) attributes {dimension_semantics = [#tpu.dimension_semantics<core_parallel>, #tpu.dimension_semantics<subcore_parallel>], iteration_bounds = array<i64: 2, 16>, scalar_prefetch = 0 : i64, scratch_operands = 3 : i64, tpu.core_type = #tpu.core_type<sc_vector_subcore>, window_params = [{transform_indices = #map}, {transform_indices = #map1}, {transform_indices = #map}]} {
    %mul3A = arith.constant 2 : i32
    %mul3A_0 = arith.muli %arg1, %mul3A : i32
    %add3A = arith.addi %mul3A_0, %arg0 : i32
    %mul3A_1 = arith.constant 128 : i32
    %mul3A_2 = arith.muli %add3A, %mul3A_1 : i32
    "tpu.region"() ({
      %run_scoped3A = tpu.sem_alloc : memref<!tpu.dma_semaphore, #tpu.memory_space<semaphore_mem>>
      %dma_start3A_65 = arith.constant 0 : i32
      %dma_start3A_66 = arith.constant 0 : i32
      %dma_start3A_67 = tpu.memref_slice %arg3[%add3A, %dma_start3A_65, %dma_start3A_66] : memref<32x4x32xi32, #tpu.memory_space<hbm>> -> memref<1x4x32xi32, #tpu.memory_space<hbm>>
      %dma_start3A_68 = tpu.memref_squeeze %dma_start3A_67 : memref<1x4x32xi32, #tpu.memory_space<hbm>> -> memref<4x32xi32, #tpu.memory_space<hbm>>
      %dma_start3A_69 = arith.constant 0 : i32
      %dma_start3A_70 = arith.constant 0 : i32
      %dma_start3A_71 = tpu.memref_slice %arg3[%add3A, %dma_start3A_69, %dma_start3A_70] : memref<32x4x32xi32, #tpu.memory_space<hbm>> -> memref<1x4x32xi32, #tpu.memory_space<hbm>>
      %dma_start3A_72 = tpu.memref_squeeze %dma_start3A_71 : memref<1x4x32xi32, #tpu.memory_space<hbm>> -> memref<4x32xi32, #tpu.memory_space<hbm>>
      tpu.enqueue_dma source(%dma_start3A_72 : memref<4x32xi32, #tpu.memory_space<hbm>>) target(%arg5 : memref<4x32xi32, #tpu.memory_space<vmem>>) target_semaphore(%run_scoped3A : memref<!tpu.dma_semaphore, #tpu.memory_space<semaphore_mem>>)
      %dma_wait3A_73 = arith.constant 0 : i32
      %dma_wait3A_74 = arith.constant 0 : i32
      %dma_wait3A_75 = tpu.memref_slice %arg3[%add3A, %dma_wait3A_73, %dma_wait3A_74] : memref<32x4x32xi32, #tpu.memory_space<hbm>> -> memref<1x4x32xi32, #tpu.memory_space<hbm>>
      %dma_wait3A_76 = tpu.memref_squeeze %dma_wait3A_75 : memref<1x4x32xi32, #tpu.memory_space<hbm>> -> memref<4x32xi32, #tpu.memory_space<hbm>>
      %dma_wait3A_77 = arith.constant 0 : i32
      %dma_wait3A_78 = arith.constant 0 : i32
      %dma_wait3A_79 = tpu.memref_slice %arg3[%add3A, %dma_wait3A_77, %dma_wait3A_78] : memref<32x4x32xi32, #tpu.memory_space<hbm>> -> memref<1x4x32xi32, #tpu.memory_space<hbm>>
      %dma_wait3A_80 = tpu.memref_squeeze %dma_wait3A_79 : memref<1x4x32xi32, #tpu.memory_space<hbm>> -> memref<4x32xi32, #tpu.memory_space<hbm>>
      tpu.wait_dma2 semaphore(%run_scoped3A : memref<!tpu.dma_semaphore, #tpu.memory_space<semaphore_mem>>) src(%dma_wait3A_80 : memref<4x32xi32, #tpu.memory_space<hbm>>) dst(%arg5 : memref<4x32xi32, #tpu.memory_space<vmem>>)
      tpu.yield
    }) : () -> ()
    %dma_start3A = arith.constant 0 : i32
    %dma_start3A_3 = arith.constant 0 : i32
    %dma_start3A_4 = tpu.memref_slice %arg5[%dma_start3A, %dma_start3A_3] : memref<4x32xi32, #tpu.memory_space<vmem>> -> memref<1x32xi32, #tpu.memory_space<vmem>>
    %dma_start3A_5 = tpu.memref_squeeze %dma_start3A_4 : memref<1x32xi32, #tpu.memory_space<vmem>> -> memref<32xi32, #tpu.memory_space<vmem>>
    %dma_start3A_6 = arith.constant 0 : i32
    %dma_start3A_7 = arith.constant 0 : i32
    %dma_start3A_8 = tpu.memref_slice %arg2[%dma_start3A_6, %dma_start3A_7] : memref<9224x1024xf32, #tpu.memory_space<hbm>> -> memref<9224x1024xf32, #tpu.memory_space<hbm>>
    tpu.enqueue_indirect_dma source(%dma_start3A_8 : memref<9224x1024xf32, #tpu.memory_space<hbm>>) target(%arg6 : memref<32x1024xf32, #tpu.memory_space<vmem>>) offsets(%dma_start3A_5 : memref<32xi32, #tpu.memory_space<vmem>>) semaphore(%arg7 : memref<!tpu.dma_semaphore, #tpu.memory_space<semaphore_mem>>)
    %dma_wait3A = arith.constant 0 : i32
    %dma_wait3A_9 = arith.constant 0 : i32
    %dma_wait3A_10 = tpu.memref_slice %arg5[%dma_wait3A, %dma_wait3A_9] : memref<4x32xi32, #tpu.memory_space<vmem>> -> memref<1x32xi32, #tpu.memory_space<vmem>>
    %dma_wait3A_11 = tpu.memref_squeeze %dma_wait3A_10 : memref<1x32xi32, #tpu.memory_space<vmem>> -> memref<32xi32, #tpu.memory_space<vmem>>
    %dma_wait3A_12 = arith.constant 0 : i32
    %dma_wait3A_13 = arith.constant 0 : i32
    %dma_wait3A_14 = tpu.memref_slice %arg2[%dma_wait3A_12, %dma_wait3A_13] : memref<9224x1024xf32, #tpu.memory_space<hbm>> -> memref<9224x1024xf32, #tpu.memory_space<hbm>>
    tpu.wait_indirect_dma semaphore(%arg7 : memref<!tpu.dma_semaphore, #tpu.memory_space<semaphore_mem>>) src(%dma_wait3A_14 : memref<9224x1024xf32, #tpu.memory_space<hbm>>) dst(%arg6 : memref<32x1024xf32, #tpu.memory_space<vmem>>)
    %add3A_15 = arith.constant 0 : i32
    %add3A_16 = arith.addi %mul3A_2, %add3A_15 : i32
    "tpu.region"() ({
      %run_scoped3A = tpu.sem_alloc : memref<!tpu.dma_semaphore, #tpu.memory_space<semaphore_mem>>
      %dma_start3A_65 = arith.constant 0 : i32
      %dma_start3A_66 = tpu.memref_slice %arg4[%add3A_16, %dma_start3A_65] : memref<4096x1024xf32, #tpu.memory_space<hbm>> -> memref<32x1024xf32, #tpu.memory_space<hbm>>
      %dma_start3A_67 = arith.constant 0 : i32
      %dma_start3A_68 = tpu.memref_slice %arg4[%add3A_16, %dma_start3A_67] : memref<4096x1024xf32, #tpu.memory_space<hbm>> -> memref<32x1024xf32, #tpu.memory_space<hbm>>
      tpu.enqueue_dma source(%arg6 : memref<32x1024xf32, #tpu.memory_space<vmem>>) target(%dma_start3A_68 : memref<32x1024xf32, #tpu.memory_space<hbm>>) target_semaphore(%run_scoped3A : memref<!tpu.dma_semaphore, #tpu.memory_space<semaphore_mem>>)
      %dma_wait3A_69 = arith.constant 0 : i32
      %dma_wait3A_70 = tpu.memref_slice %arg4[%add3A_16, %dma_wait3A_69] : memref<4096x1024xf32, #tpu.memory_space<hbm>> -> memref<32x1024xf32, #tpu.memory_space<hbm>>
      %dma_wait3A_71 = arith.constant 0 : i32
      %dma_wait3A_72 = tpu.memref_slice %arg4[%add3A_16, %dma_wait3A_71] : memref<4096x1024xf32, #tpu.memory_space<hbm>> -> memref<32x1024xf32, #tpu.memory_space<hbm>>
      tpu.wait_dma2 semaphore(%run_scoped3A : memref<!tpu.dma_semaphore, #tpu.memory_space<semaphore_mem>>) src(%arg6 : memref<32x1024xf32, #tpu.memory_space<vmem>>) dst(%dma_wait3A_72 : memref<32x1024xf32, #tpu.memory_space<hbm>>)
      tpu.yield
    }) : () -> ()
    %dma_start3A_17 = arith.constant 1 : i32
    %dma_start3A_18 = arith.constant 0 : i32
    %dma_start3A_19 = tpu.memref_slice %arg5[%dma_start3A_17, %dma_start3A_18] : memref<4x32xi32, #tpu.memory_space<vmem>> -> memref<1x32xi32, #tpu.memory_space<vmem>>
    %dma_start3A_20 = tpu.memref_squeeze %dma_start3A_19 : memref<1x32xi32, #tpu.memory_space<vmem>> -> memref<32xi32, #tpu.memory_space<vmem>>
    %dma_start3A_21 = arith.constant 0 : i32
    %dma_start3A_22 = arith.constant 0 : i32
    %dma_start3A_23 = tpu.memref_slice %arg2[%dma_start3A_21, %dma_start3A_22] : memref<9224x1024xf32, #tpu.memory_space<hbm>> -> memref<9224x1024xf32, #tpu.memory_space<hbm>>
    tpu.enqueue_indirect_dma source(%dma_start3A_23 : memref<9224x1024xf32, #tpu.memory_space<hbm>>) target(%arg6 : memref<32x1024xf32, #tpu.memory_space<vmem>>) offsets(%dma_start3A_20 : memref<32xi32, #tpu.memory_space<vmem>>) semaphore(%arg7 : memref<!tpu.dma_semaphore, #tpu.memory_space<semaphore_mem>>)
    %dma_wait3A_24 = arith.constant 1 : i32
    %dma_wait3A_25 = arith.constant 0 : i32
    %dma_wait3A_26 = tpu.memref_slice %arg5[%dma_wait3A_24, %dma_wait3A_25] : memref<4x32xi32, #tpu.memory_space<vmem>> -> memref<1x32xi32, #tpu.memory_space<vmem>>
    %dma_wait3A_27 = tpu.memref_squeeze %dma_wait3A_26 : memref<1x32xi32, #tpu.memory_space<vmem>> -> memref<32xi32, #tpu.memory_space<vmem>>
    %dma_wait3A_28 = arith.constant 0 : i32
    %dma_wait3A_29 = arith.constant 0 : i32
    %dma_wait3A_30 = tpu.memref_slice %arg2[%dma_wait3A_28, %dma_wait3A_29] : memref<9224x1024xf32, #tpu.memory_space<hbm>> -> memref<9224x1024xf32, #tpu.memory_space<hbm>>
    tpu.wait_indirect_dma semaphore(%arg7 : memref<!tpu.dma_semaphore, #tpu.memory_space<semaphore_mem>>) src(%dma_wait3A_30 : memref<9224x1024xf32, #tpu.memory_space<hbm>>) dst(%arg6 : memref<32x1024xf32, #tpu.memory_space<vmem>>)
    %add3A_31 = arith.constant 32 : i32
    %add3A_32 = arith.addi %mul3A_2, %add3A_31 : i32
    "tpu.region"() ({
      %run_scoped3A = tpu.sem_alloc : memref<!tpu.dma_semaphore, #tpu.memory_space<semaphore_mem>>
      %dma_start3A_65 = arith.constant 0 : i32
      %dma_start3A_66 = tpu.memref_slice %arg4[%add3A_32, %dma_start3A_65] : memref<4096x1024xf32, #tpu.memory_space<hbm>> -> memref<32x1024xf32, #tpu.memory_space<hbm>>
      %dma_start3A_67 = arith.constant 0 : i32
      %dma_start3A_68 = tpu.memref_slice %arg4[%add3A_32, %dma_start3A_67] : memref<4096x1024xf32, #tpu.memory_space<hbm>> -> memref<32x1024xf32, #tpu.memory_space<hbm>>
      tpu.enqueue_dma source(%arg6 : memref<32x1024xf32, #tpu.memory_space<vmem>>) target(%dma_start3A_68 : memref<32x1024xf32, #tpu.memory_space<hbm>>) target_semaphore(%run_scoped3A : memref<!tpu.dma_semaphore, #tpu.memory_space<semaphore_mem>>)
      %dma_wait3A_69 = arith.constant 0 : i32
      %dma_wait3A_70 = tpu.memref_slice %arg4[%add3A_32, %dma_wait3A_69] : memref<4096x1024xf32, #tpu.memory_space<hbm>> -> memref<32x1024xf32, #tpu.memory_space<hbm>>
      %dma_wait3A_71 = arith.constant 0 : i32
      %dma_wait3A_72 = tpu.memref_slice %arg4[%add3A_32, %dma_wait3A_71] : memref<4096x1024xf32, #tpu.memory_space<hbm>> -> memref<32x1024xf32, #tpu.memory_space<hbm>>
      tpu.wait_dma2 semaphore(%run_scoped3A : memref<!tpu.dma_semaphore, #tpu.memory_space<semaphore_mem>>) src(%arg6 : memref<32x1024xf32, #tpu.memory_space<vmem>>) dst(%dma_wait3A_72 : memref<32x1024xf32, #tpu.memory_space<hbm>>)
      tpu.yield
    }) : () -> ()
    %dma_start3A_33 = arith.constant 2 : i32
    %dma_start3A_34 = arith.constant 0 : i32
    %dma_start3A_35 = tpu.memref_slice %arg5[%dma_start3A_33, %dma_start3A_34] : memref<4x32xi32, #tpu.memory_space<vmem>> -> memref<1x32xi32, #tpu.memory_space<vmem>>
    %dma_start3A_36 = tpu.memref_squeeze %dma_start3A_35 : memref<1x32xi32, #tpu.memory_space<vmem>> -> memref<32xi32, #tpu.memory_space<vmem>>
    %dma_start3A_37 = arith.constant 0 : i32
    %dma_start3A_38 = arith.constant 0 : i32
    %dma_start3A_39 = tpu.memref_slice %arg2[%dma_start3A_37, %dma_start3A_38] : memref<9224x1024xf32, #tpu.memory_space<hbm>> -> memref<9224x1024xf32, #tpu.memory_space<hbm>>
    tpu.enqueue_indirect_dma source(%dma_start3A_39 : memref<9224x1024xf32, #tpu.memory_space<hbm>>) target(%arg6 : memref<32x1024xf32, #tpu.memory_space<vmem>>) offsets(%dma_start3A_36 : memref<32xi32, #tpu.memory_space<vmem>>) semaphore(%arg7 : memref<!tpu.dma_semaphore, #tpu.memory_space<semaphore_mem>>)
    %dma_wait3A_40 = arith.constant 2 : i32
    %dma_wait3A_41 = arith.constant 0 : i32
    %dma_wait3A_42 = tpu.memref_slice %arg5[%dma_wait3A_40, %dma_wait3A_41] : memref<4x32xi32, #tpu.memory_space<vmem>> -> memref<1x32xi32, #tpu.memory_space<vmem>>
    %dma_wait3A_43 = tpu.memref_squeeze %dma_wait3A_42 : memref<1x32xi32, #tpu.memory_space<vmem>> -> memref<32xi32, #tpu.memory_space<vmem>>
    %dma_wait3A_44 = arith.constant 0 : i32
    %dma_wait3A_45 = arith.constant 0 : i32
    %dma_wait3A_46 = tpu.memref_slice %arg2[%dma_wait3A_44, %dma_wait3A_45] : memref<9224x1024xf32, #tpu.memory_space<hbm>> -> memref<9224x1024xf32, #tpu.memory_space<hbm>>
    tpu.wait_indirect_dma semaphore(%arg7 : memref<!tpu.dma_semaphore, #tpu.memory_space<semaphore_mem>>) src(%dma_wait3A_46 : memref<9224x1024xf32, #tpu.memory_space<hbm>>) dst(%arg6 : memref<32x1024xf32, #tpu.memory_space<vmem>>)
    %add3A_47 = arith.constant 64 : i32
    %add3A_48 = arith.addi %mul3A_2, %add3A_47 : i32
    "tpu.region"() ({
      %run_scoped3A = tpu.sem_alloc : memref<!tpu.dma_semaphore, #tpu.memory_space<semaphore_mem>>
      %dma_start3A_65 = arith.constant 0 : i32
      %dma_start3A_66 = tpu.memref_slice %arg4[%add3A_48, %dma_start3A_65] : memref<4096x1024xf32, #tpu.memory_space<hbm>> -> memref<32x1024xf32, #tpu.memory_space<hbm>>
      %dma_start3A_67 = arith.constant 0 : i32
      %dma_start3A_68 = tpu.memref_slice %arg4[%add3A_48, %dma_start3A_67] : memref<4096x1024xf32, #tpu.memory_space<hbm>> -> memref<32x1024xf32, #tpu.memory_space<hbm>>
      tpu.enqueue_dma source(%arg6 : memref<32x1024xf32, #tpu.memory_space<vmem>>) target(%dma_start3A_68 : memref<32x1024xf32, #tpu.memory_space<hbm>>) target_semaphore(%run_scoped3A : memref<!tpu.dma_semaphore, #tpu.memory_space<semaphore_mem>>)
      %dma_wait3A_69 = arith.constant 0 : i32
      %dma_wait3A_70 = tpu.memref_slice %arg4[%add3A_48, %dma_wait3A_69] : memref<4096x1024xf32, #tpu.memory_space<hbm>> -> memref<32x1024xf32, #tpu.memory_space<hbm>>
      %dma_wait3A_71 = arith.constant 0 : i32
      %dma_wait3A_72 = tpu.memref_slice %arg4[%add3A_48, %dma_wait3A_71] : memref<4096x1024xf32, #tpu.memory_space<hbm>> -> memref<32x1024xf32, #tpu.memory_space<hbm>>
      tpu.wait_dma2 semaphore(%run_scoped3A : memref<!tpu.dma_semaphore, #tpu.memory_space<semaphore_mem>>) src(%arg6 : memref<32x1024xf32, #tpu.memory_space<vmem>>) dst(%dma_wait3A_72 : memref<32x1024xf32, #tpu.memory_space<hbm>>)
      tpu.yield
    }) : () -> ()
    %dma_start3A_49 = arith.constant 3 : i32
    %dma_start3A_50 = arith.constant 0 : i32
    %dma_start3A_51 = tpu.memref_slice %arg5[%dma_start3A_49, %dma_start3A_50] : memref<4x32xi32, #tpu.memory_space<vmem>> -> memref<1x32xi32, #tpu.memory_space<vmem>>
    %dma_start3A_52 = tpu.memref_squeeze %dma_start3A_51 : memref<1x32xi32, #tpu.memory_space<vmem>> -> memref<32xi32, #tpu.memory_space<vmem>>
    %dma_start3A_53 = arith.constant 0 : i32
    %dma_start3A_54 = arith.constant 0 : i32
    %dma_start3A_55 = tpu.memref_slice %arg2[%dma_start3A_53, %dma_start3A_54] : memref<9224x1024xf32, #tpu.memory_space<hbm>> -> memref<9224x1024xf32, #tpu.memory_space<hbm>>
    tpu.enqueue_indirect_dma source(%dma_start3A_55 : memref<9224x1024xf32, #tpu.memory_space<hbm>>) target(%arg6 : memref<32x1024xf32, #tpu.memory_space<vmem>>) offsets(%dma_start3A_52 : memref<32xi32, #tpu.memory_space<vmem>>) semaphore(%arg7 : memref<!tpu.dma_semaphore, #tpu.memory_space<semaphore_mem>>)
    %dma_wait3A_56 = arith.constant 3 : i32
    %dma_wait3A_57 = arith.constant 0 : i32
    %dma_wait3A_58 = tpu.memref_slice %arg5[%dma_wait3A_56, %dma_wait3A_57] : memref<4x32xi32, #tpu.memory_space<vmem>> -> memref<1x32xi32, #tpu.memory_space<vmem>>
    %dma_wait3A_59 = tpu.memref_squeeze %dma_wait3A_58 : memref<1x32xi32, #tpu.memory_space<vmem>> -> memref<32xi32, #tpu.memory_space<vmem>>
    %dma_wait3A_60 = arith.constant 0 : i32
    %dma_wait3A_61 = arith.constant 0 : i32
    %dma_wait3A_62 = tpu.memref_slice %arg2[%dma_wait3A_60, %dma_wait3A_61] : memref<9224x1024xf32, #tpu.memory_space<hbm>> -> memref<9224x1024xf32, #tpu.memory_space<hbm>>
    tpu.wait_indirect_dma semaphore(%arg7 : memref<!tpu.dma_semaphore, #tpu.memory_space<semaphore_mem>>) src(%dma_wait3A_62 : memref<9224x1024xf32, #tpu.memory_space<hbm>>) dst(%arg6 : memref<32x1024xf32, #tpu.memory_space<vmem>>)
    %add3A_63 = arith.constant 96 : i32
    %add3A_64 = arith.addi %mul3A_2, %add3A_63 : i32
    "tpu.region"() ({
      %run_scoped3A = tpu.sem_alloc : memref<!tpu.dma_semaphore, #tpu.memory_space<semaphore_mem>>
      %dma_start3A_65 = arith.constant 0 : i32
      %dma_start3A_66 = tpu.memref_slice %arg4[%add3A_64, %dma_start3A_65] : memref<4096x1024xf32, #tpu.memory_space<hbm>> -> memref<32x1024xf32, #tpu.memory_space<hbm>>
      %dma_start3A_67 = arith.constant 0 : i32
      %dma_start3A_68 = tpu.memref_slice %arg4[%add3A_64, %dma_start3A_67] : memref<4096x1024xf32, #tpu.memory_space<hbm>> -> memref<32x1024xf32, #tpu.memory_space<hbm>>
      tpu.enqueue_dma source(%arg6 : memref<32x1024xf32, #tpu.memory_space<vmem>>) target(%dma_start3A_68 : memref<32x1024xf32, #tpu.memory_space<hbm>>) target_semaphore(%run_scoped3A : memref<!tpu.dma_semaphore, #tpu.memory_space<semaphore_mem>>)
      %dma_wait3A_69 = arith.constant 0 : i32
      %dma_wait3A_70 = tpu.memref_slice %arg4[%add3A_64, %dma_wait3A_69] : memref<4096x1024xf32, #tpu.memory_space<hbm>> -> memref<32x1024xf32, #tpu.memory_space<hbm>>
      %dma_wait3A_71 = arith.constant 0 : i32
      %dma_wait3A_72 = tpu.memref_slice %arg4[%add3A_64, %dma_wait3A_71] : memref<4096x1024xf32, #tpu.memory_space<hbm>> -> memref<32x1024xf32, #tpu.memory_space<hbm>>
      tpu.wait_dma2 semaphore(%run_scoped3A : memref<!tpu.dma_semaphore, #tpu.memory_space<semaphore_mem>>) src(%arg6 : memref<32x1024xf32, #tpu.memory_space<vmem>>) dst(%dma_wait3A_72 : memref<32x1024xf32, #tpu.memory_space<hbm>>)
      tpu.yield
    }) : () -> ()
    return
  }
}

#map = affine_map<(d0, d1) -> (0, 0)>
#map1 = affine_map<(d0, d1) -> (0, 0, 0)>
module attributes {stable_mosaic.version = 14 : i64} {
  func.func @k(%arg0: i32, %arg1: i32, %arg2: memref<4096x1024xf32, #tpu.memory_space<hbm>>, %arg3: memref<32x4x32xi32, #tpu.memory_space<hbm>>, %arg4: memref<9224x1024xf32, #tpu.memory_space<hbm>>, %arg5: memref<4x32xi32, #tpu.memory_space<vmem>>, %arg6: memref<32x1024xf32, #tpu.memory_space<vmem>>, %arg7: memref<!tpu.dma_semaphore, #tpu.memory_space<semaphore_mem>>) attributes {dimension_semantics = [#tpu.dimension_semantics<core_parallel>, #tpu.dimension_semantics<subcore_parallel>], iteration_bounds = array<i64: 2, 16>, scalar_prefetch = 0 : i64, scratch_operands = 3 : i64, tpu.core_type = #tpu.core_type<sc_vector_subcore>, window_params = [{transform_indices = #map}, {transform_indices = #map1}, {transform_indices = #map}]} {
    %mul3A = arith.constant 2 : i32
    %mul3A_0 = arith.muli %arg1, %mul3A : i32
    %add3A = arith.addi %mul3A_0, %arg0 : i32
    %mul3A_1 = arith.constant 128 : i32
    %mul3A_2 = arith.muli %add3A, %mul3A_1 : i32
    "tpu.region"() ({
      %run_scoped3A = tpu.sem_alloc : memref<!tpu.dma_semaphore, #tpu.memory_space<semaphore_mem>>
      %dma_start3A_73 = arith.constant 0 : i32
      %dma_start3A_74 = arith.constant 0 : i32
      %dma_start3A_75 = tpu.memref_slice %arg3[%add3A, %dma_start3A_73, %dma_start3A_74] : memref<32x4x32xi32, #tpu.memory_space<hbm>> -> memref<1x4x32xi32, #tpu.memory_space<hbm>>
      %dma_start3A_76 = tpu.memref_squeeze %dma_start3A_75 : memref<1x4x32xi32, #tpu.memory_space<hbm>> -> memref<4x32xi32, #tpu.memory_space<hbm>>
      %dma_start3A_77 = arith.constant 0 : i32
      %dma_start3A_78 = arith.constant 0 : i32
      %dma_start3A_79 = tpu.memref_slice %arg3[%add3A, %dma_start3A_77, %dma_start3A_78] : memref<32x4x32xi32, #tpu.memory_space<hbm>> -> memref<1x4x32xi32, #tpu.memory_space<hbm>>
      %dma_start3A_80 = tpu.memref_squeeze %dma_start3A_79 : memref<1x4x32xi32, #tpu.memory_space<hbm>> -> memref<4x32xi32, #tpu.memory_space<hbm>>
      tpu.enqueue_dma source(%dma_start3A_80 : memref<4x32xi32, #tpu.memory_space<hbm>>) target(%arg5 : memref<4x32xi32, #tpu.memory_space<vmem>>) target_semaphore(%run_scoped3A : memref<!tpu.dma_semaphore, #tpu.memory_space<semaphore_mem>>)
      %dma_wait3A_81 = arith.constant 0 : i32
      %dma_wait3A_82 = arith.constant 0 : i32
      %dma_wait3A_83 = tpu.memref_slice %arg3[%add3A, %dma_wait3A_81, %dma_wait3A_82] : memref<32x4x32xi32, #tpu.memory_space<hbm>> -> memref<1x4x32xi32, #tpu.memory_space<hbm>>
      %dma_wait3A_84 = tpu.memref_squeeze %dma_wait3A_83 : memref<1x4x32xi32, #tpu.memory_space<hbm>> -> memref<4x32xi32, #tpu.memory_space<hbm>>
      %dma_wait3A_85 = arith.constant 0 : i32
      %dma_wait3A_86 = arith.constant 0 : i32
      %dma_wait3A_87 = tpu.memref_slice %arg3[%add3A, %dma_wait3A_85, %dma_wait3A_86] : memref<32x4x32xi32, #tpu.memory_space<hbm>> -> memref<1x4x32xi32, #tpu.memory_space<hbm>>
      %dma_wait3A_88 = tpu.memref_squeeze %dma_wait3A_87 : memref<1x4x32xi32, #tpu.memory_space<hbm>> -> memref<4x32xi32, #tpu.memory_space<hbm>>
      tpu.wait_dma2 semaphore(%run_scoped3A : memref<!tpu.dma_semaphore, #tpu.memory_space<semaphore_mem>>) src(%dma_wait3A_88 : memref<4x32xi32, #tpu.memory_space<hbm>>) dst(%arg5 : memref<4x32xi32, #tpu.memory_space<vmem>>)
      tpu.yield
    }) : () -> ()
    %add3A_3 = arith.constant 0 : i32
    %add3A_4 = arith.addi %mul3A_2, %add3A_3 : i32
    "tpu.region"() ({
      %run_scoped3A = tpu.sem_alloc : memref<!tpu.dma_semaphore, #tpu.memory_space<semaphore_mem>>
      %dma_start3A_73 = arith.constant 0 : i32
      %dma_start3A_74 = tpu.memref_slice %arg2[%add3A_4, %dma_start3A_73] : memref<4096x1024xf32, #tpu.memory_space<hbm>> -> memref<32x1024xf32, #tpu.memory_space<hbm>>
      %dma_start3A_75 = arith.constant 0 : i32
      %dma_start3A_76 = tpu.memref_slice %arg2[%add3A_4, %dma_start3A_75] : memref<4096x1024xf32, #tpu.memory_space<hbm>> -> memref<32x1024xf32, #tpu.memory_space<hbm>>
      tpu.enqueue_dma source(%dma_start3A_76 : memref<32x1024xf32, #tpu.memory_space<hbm>>) target(%arg6 : memref<32x1024xf32, #tpu.memory_space<vmem>>) target_semaphore(%run_scoped3A : memref<!tpu.dma_semaphore, #tpu.memory_space<semaphore_mem>>)
      %dma_wait3A_77 = arith.constant 0 : i32
      %dma_wait3A_78 = tpu.memref_slice %arg2[%add3A_4, %dma_wait3A_77] : memref<4096x1024xf32, #tpu.memory_space<hbm>> -> memref<32x1024xf32, #tpu.memory_space<hbm>>
      %dma_wait3A_79 = arith.constant 0 : i32
      %dma_wait3A_80 = tpu.memref_slice %arg2[%add3A_4, %dma_wait3A_79] : memref<4096x1024xf32, #tpu.memory_space<hbm>> -> memref<32x1024xf32, #tpu.memory_space<hbm>>
      tpu.wait_dma2 semaphore(%run_scoped3A : memref<!tpu.dma_semaphore, #tpu.memory_space<semaphore_mem>>) src(%dma_wait3A_80 : memref<32x1024xf32, #tpu.memory_space<hbm>>) dst(%arg6 : memref<32x1024xf32, #tpu.memory_space<vmem>>)
      tpu.yield
    }) : () -> ()
    %add3A_5 = arith.constant 5128 : i32
    %add3A_6 = arith.addi %add3A_5, %add3A_4 : i32
    "tpu.region"() ({
      %run_scoped3A = tpu.sem_alloc : memref<!tpu.dma_semaphore, #tpu.memory_space<semaphore_mem>>
      %dma_start3A_73 = arith.constant 0 : i32
      %dma_start3A_74 = tpu.memref_slice %arg4[%add3A_6, %dma_start3A_73] : memref<9224x1024xf32, #tpu.memory_space<hbm>> -> memref<32x1024xf32, #tpu.memory_space<hbm>>
      %dma_start3A_75 = arith.constant 0 : i32
      %dma_start3A_76 = tpu.memref_slice %arg4[%add3A_6, %dma_start3A_75] : memref<9224x1024xf32, #tpu.memory_space<hbm>> -> memref<32x1024xf32, #tpu.memory_space<hbm>>
      tpu.enqueue_dma source(%arg6 : memref<32x1024xf32, #tpu.memory_space<vmem>>) target(%dma_start3A_76 : memref<32x1024xf32, #tpu.memory_space<hbm>>) target_semaphore(%run_scoped3A : memref<!tpu.dma_semaphore, #tpu.memory_space<semaphore_mem>>)
      %dma_wait3A_77 = arith.constant 0 : i32
      %dma_wait3A_78 = tpu.memref_slice %arg4[%add3A_6, %dma_wait3A_77] : memref<9224x1024xf32, #tpu.memory_space<hbm>> -> memref<32x1024xf32, #tpu.memory_space<hbm>>
      %dma_wait3A_79 = arith.constant 0 : i32
      %dma_wait3A_80 = tpu.memref_slice %arg4[%add3A_6, %dma_wait3A_79] : memref<9224x1024xf32, #tpu.memory_space<hbm>> -> memref<32x1024xf32, #tpu.memory_space<hbm>>
      tpu.wait_dma2 semaphore(%run_scoped3A : memref<!tpu.dma_semaphore, #tpu.memory_space<semaphore_mem>>) src(%arg6 : memref<32x1024xf32, #tpu.memory_space<vmem>>) dst(%dma_wait3A_80 : memref<32x1024xf32, #tpu.memory_space<hbm>>)
      tpu.yield
    }) : () -> ()
    %dma_start3A = arith.constant 0 : i32
    %dma_start3A_7 = arith.constant 0 : i32
    %dma_start3A_8 = tpu.memref_slice %arg5[%dma_start3A, %dma_start3A_7] : memref<4x32xi32, #tpu.memory_space<vmem>> -> memref<1x32xi32, #tpu.memory_space<vmem>>
    %dma_start3A_9 = tpu.memref_squeeze %dma_start3A_8 : memref<1x32xi32, #tpu.memory_space<vmem>> -> memref<32xi32, #tpu.memory_space<vmem>>
    %dma_start3A_10 = arith.constant 0 : i32
    %dma_start3A_11 = arith.constant 0 : i32
    %dma_start3A_12 = tpu.memref_slice %arg4[%dma_start3A_10, %dma_start3A_11] : memref<9224x1024xf32, #tpu.memory_space<hbm>> -> memref<9224x1024xf32, #tpu.memory_space<hbm>>
    tpu.enqueue_indirect_dma source(%arg6 : memref<32x1024xf32, #tpu.memory_space<vmem>>) target(%dma_start3A_12 : memref<9224x1024xf32, #tpu.memory_space<hbm>>) offsets(%dma_start3A_9 : memref<32xi32, #tpu.memory_space<vmem>>) semaphore(%arg7 : memref<!tpu.dma_semaphore, #tpu.memory_space<semaphore_mem>>)
    %dma_wait3A = arith.constant 0 : i32
    %dma_wait3A_13 = arith.constant 0 : i32
    %dma_wait3A_14 = tpu.memref_slice %arg5[%dma_wait3A, %dma_wait3A_13] : memref<4x32xi32, #tpu.memory_space<vmem>> -> memref<1x32xi32, #tpu.memory_space<vmem>>
    %dma_wait3A_15 = tpu.memref_squeeze %dma_wait3A_14 : memref<1x32xi32, #tpu.memory_space<vmem>> -> memref<32xi32, #tpu.memory_space<vmem>>
    %dma_wait3A_16 = arith.constant 0 : i32
    %dma_wait3A_17 = arith.constant 0 : i32
    %dma_wait3A_18 = tpu.memref_slice %arg4[%dma_wait3A_16, %dma_wait3A_17] : memref<9224x1024xf32, #tpu.memory_space<hbm>> -> memref<9224x1024xf32, #tpu.memory_space<hbm>>
    tpu.wait_indirect_dma semaphore(%arg7 : memref<!tpu.dma_semaphore, #tpu.memory_space<semaphore_mem>>) src(%arg6 : memref<32x1024xf32, #tpu.memory_space<vmem>>) dst(%dma_wait3A_18 : memref<9224x1024xf32, #tpu.memory_space<hbm>>)
    %add3A_19 = arith.constant 32 : i32
    %add3A_20 = arith.addi %mul3A_2, %add3A_19 : i32
    "tpu.region"() ({
      %run_scoped3A = tpu.sem_alloc : memref<!tpu.dma_semaphore, #tpu.memory_space<semaphore_mem>>
      %dma_start3A_73 = arith.constant 0 : i32
      %dma_start3A_74 = tpu.memref_slice %arg2[%add3A_20, %dma_start3A_73] : memref<4096x1024xf32, #tpu.memory_space<hbm>> -> memref<32x1024xf32, #tpu.memory_space<hbm>>
      %dma_start3A_75 = arith.constant 0 : i32
      %dma_start3A_76 = tpu.memref_slice %arg2[%add3A_20, %dma_start3A_75] : memref<4096x1024xf32, #tpu.memory_space<hbm>> -> memref<32x1024xf32, #tpu.memory_space<hbm>>
      tpu.enqueue_dma source(%dma_start3A_76 : memref<32x1024xf32, #tpu.memory_space<hbm>>) target(%arg6 : memref<32x1024xf32, #tpu.memory_space<vmem>>) target_semaphore(%run_scoped3A : memref<!tpu.dma_semaphore, #tpu.memory_space<semaphore_mem>>)
      %dma_wait3A_77 = arith.constant 0 : i32
      %dma_wait3A_78 = tpu.memref_slice %arg2[%add3A_20, %dma_wait3A_77] : memref<4096x1024xf32, #tpu.memory_space<hbm>> -> memref<32x1024xf32, #tpu.memory_space<hbm>>
      %dma_wait3A_79 = arith.constant 0 : i32
      %dma_wait3A_80 = tpu.memref_slice %arg2[%add3A_20, %dma_wait3A_79] : memref<4096x1024xf32, #tpu.memory_space<hbm>> -> memref<32x1024xf32, #tpu.memory_space<hbm>>
      tpu.wait_dma2 semaphore(%run_scoped3A : memref<!tpu.dma_semaphore, #tpu.memory_space<semaphore_mem>>) src(%dma_wait3A_80 : memref<32x1024xf32, #tpu.memory_space<hbm>>) dst(%arg6 : memref<32x1024xf32, #tpu.memory_space<vmem>>)
      tpu.yield
    }) : () -> ()
    %add3A_21 = arith.constant 5128 : i32
    %add3A_22 = arith.addi %add3A_21, %add3A_20 : i32
    "tpu.region"() ({
      %run_scoped3A = tpu.sem_alloc : memref<!tpu.dma_semaphore, #tpu.memory_space<semaphore_mem>>
      %dma_start3A_73 = arith.constant 0 : i32
      %dma_start3A_74 = tpu.memref_slice %arg4[%add3A_22, %dma_start3A_73] : memref<9224x1024xf32, #tpu.memory_space<hbm>> -> memref<32x1024xf32, #tpu.memory_space<hbm>>
      %dma_start3A_75 = arith.constant 0 : i32
      %dma_start3A_76 = tpu.memref_slice %arg4[%add3A_22, %dma_start3A_75] : memref<9224x1024xf32, #tpu.memory_space<hbm>> -> memref<32x1024xf32, #tpu.memory_space<hbm>>
      tpu.enqueue_dma source(%arg6 : memref<32x1024xf32, #tpu.memory_space<vmem>>) target(%dma_start3A_76 : memref<32x1024xf32, #tpu.memory_space<hbm>>) target_semaphore(%run_scoped3A : memref<!tpu.dma_semaphore, #tpu.memory_space<semaphore_mem>>)
      %dma_wait3A_77 = arith.constant 0 : i32
      %dma_wait3A_78 = tpu.memref_slice %arg4[%add3A_22, %dma_wait3A_77] : memref<9224x1024xf32, #tpu.memory_space<hbm>> -> memref<32x1024xf32, #tpu.memory_space<hbm>>
      %dma_wait3A_79 = arith.constant 0 : i32
      %dma_wait3A_80 = tpu.memref_slice %arg4[%add3A_22, %dma_wait3A_79] : memref<9224x1024xf32, #tpu.memory_space<hbm>> -> memref<32x1024xf32, #tpu.memory_space<hbm>>
      tpu.wait_dma2 semaphore(%run_scoped3A : memref<!tpu.dma_semaphore, #tpu.memory_space<semaphore_mem>>) src(%arg6 : memref<32x1024xf32, #tpu.memory_space<vmem>>) dst(%dma_wait3A_80 : memref<32x1024xf32, #tpu.memory_space<hbm>>)
      tpu.yield
    }) : () -> ()
    %dma_start3A_23 = arith.constant 1 : i32
    %dma_start3A_24 = arith.constant 0 : i32
    %dma_start3A_25 = tpu.memref_slice %arg5[%dma_start3A_23, %dma_start3A_24] : memref<4x32xi32, #tpu.memory_space<vmem>> -> memref<1x32xi32, #tpu.memory_space<vmem>>
    %dma_start3A_26 = tpu.memref_squeeze %dma_start3A_25 : memref<1x32xi32, #tpu.memory_space<vmem>> -> memref<32xi32, #tpu.memory_space<vmem>>
    %dma_start3A_27 = arith.constant 0 : i32
    %dma_start3A_28 = arith.constant 0 : i32
    %dma_start3A_29 = tpu.memref_slice %arg4[%dma_start3A_27, %dma_start3A_28] : memref<9224x1024xf32, #tpu.memory_space<hbm>> -> memref<9224x1024xf32, #tpu.memory_space<hbm>>
    tpu.enqueue_indirect_dma source(%arg6 : memref<32x1024xf32, #tpu.memory_space<vmem>>) target(%dma_start3A_29 : memref<9224x1024xf32, #tpu.memory_space<hbm>>) offsets(%dma_start3A_26 : memref<32xi32, #tpu.memory_space<vmem>>) semaphore(%arg7 : memref<!tpu.dma_semaphore, #tpu.memory_space<semaphore_mem>>)
    %dma_wait3A_30 = arith.constant 1 : i32
    %dma_wait3A_31 = arith.constant 0 : i32
    %dma_wait3A_32 = tpu.memref_slice %arg5[%dma_wait3A_30, %dma_wait3A_31] : memref<4x32xi32, #tpu.memory_space<vmem>> -> memref<1x32xi32, #tpu.memory_space<vmem>>
    %dma_wait3A_33 = tpu.memref_squeeze %dma_wait3A_32 : memref<1x32xi32, #tpu.memory_space<vmem>> -> memref<32xi32, #tpu.memory_space<vmem>>
    %dma_wait3A_34 = arith.constant 0 : i32
    %dma_wait3A_35 = arith.constant 0 : i32
    %dma_wait3A_36 = tpu.memref_slice %arg4[%dma_wait3A_34, %dma_wait3A_35] : memref<9224x1024xf32, #tpu.memory_space<hbm>> -> memref<9224x1024xf32, #tpu.memory_space<hbm>>
    tpu.wait_indirect_dma semaphore(%arg7 : memref<!tpu.dma_semaphore, #tpu.memory_space<semaphore_mem>>) src(%arg6 : memref<32x1024xf32, #tpu.memory_space<vmem>>) dst(%dma_wait3A_36 : memref<9224x1024xf32, #tpu.memory_space<hbm>>)
    %add3A_37 = arith.constant 64 : i32
    %add3A_38 = arith.addi %mul3A_2, %add3A_37 : i32
    "tpu.region"() ({
      %run_scoped3A = tpu.sem_alloc : memref<!tpu.dma_semaphore, #tpu.memory_space<semaphore_mem>>
      %dma_start3A_73 = arith.constant 0 : i32
      %dma_start3A_74 = tpu.memref_slice %arg2[%add3A_38, %dma_start3A_73] : memref<4096x1024xf32, #tpu.memory_space<hbm>> -> memref<32x1024xf32, #tpu.memory_space<hbm>>
      %dma_start3A_75 = arith.constant 0 : i32
      %dma_start3A_76 = tpu.memref_slice %arg2[%add3A_38, %dma_start3A_75] : memref<4096x1024xf32, #tpu.memory_space<hbm>> -> memref<32x1024xf32, #tpu.memory_space<hbm>>
      tpu.enqueue_dma source(%dma_start3A_76 : memref<32x1024xf32, #tpu.memory_space<hbm>>) target(%arg6 : memref<32x1024xf32, #tpu.memory_space<vmem>>) target_semaphore(%run_scoped3A : memref<!tpu.dma_semaphore, #tpu.memory_space<semaphore_mem>>)
      %dma_wait3A_77 = arith.constant 0 : i32
      %dma_wait3A_78 = tpu.memref_slice %arg2[%add3A_38, %dma_wait3A_77] : memref<4096x1024xf32, #tpu.memory_space<hbm>> -> memref<32x1024xf32, #tpu.memory_space<hbm>>
      %dma_wait3A_79 = arith.constant 0 : i32
      %dma_wait3A_80 = tpu.memref_slice %arg2[%add3A_38, %dma_wait3A_79] : memref<4096x1024xf32, #tpu.memory_space<hbm>> -> memref<32x1024xf32, #tpu.memory_space<hbm>>
      tpu.wait_dma2 semaphore(%run_scoped3A : memref<!tpu.dma_semaphore, #tpu.memory_space<semaphore_mem>>) src(%dma_wait3A_80 : memref<32x1024xf32, #tpu.memory_space<hbm>>) dst(%arg6 : memref<32x1024xf32, #tpu.memory_space<vmem>>)
      tpu.yield
    }) : () -> ()
    %add3A_39 = arith.constant 5128 : i32
    %add3A_40 = arith.addi %add3A_39, %add3A_38 : i32
    "tpu.region"() ({
      %run_scoped3A = tpu.sem_alloc : memref<!tpu.dma_semaphore, #tpu.memory_space<semaphore_mem>>
      %dma_start3A_73 = arith.constant 0 : i32
      %dma_start3A_74 = tpu.memref_slice %arg4[%add3A_40, %dma_start3A_73] : memref<9224x1024xf32, #tpu.memory_space<hbm>> -> memref<32x1024xf32, #tpu.memory_space<hbm>>
      %dma_start3A_75 = arith.constant 0 : i32
      %dma_start3A_76 = tpu.memref_slice %arg4[%add3A_40, %dma_start3A_75] : memref<9224x1024xf32, #tpu.memory_space<hbm>> -> memref<32x1024xf32, #tpu.memory_space<hbm>>
      tpu.enqueue_dma source(%arg6 : memref<32x1024xf32, #tpu.memory_space<vmem>>) target(%dma_start3A_76 : memref<32x1024xf32, #tpu.memory_space<hbm>>) target_semaphore(%run_scoped3A : memref<!tpu.dma_semaphore, #tpu.memory_space<semaphore_mem>>)
      %dma_wait3A_77 = arith.constant 0 : i32
      %dma_wait3A_78 = tpu.memref_slice %arg4[%add3A_40, %dma_wait3A_77] : memref<9224x1024xf32, #tpu.memory_space<hbm>> -> memref<32x1024xf32, #tpu.memory_space<hbm>>
      %dma_wait3A_79 = arith.constant 0 : i32
      %dma_wait3A_80 = tpu.memref_slice %arg4[%add3A_40, %dma_wait3A_79] : memref<9224x1024xf32, #tpu.memory_space<hbm>> -> memref<32x1024xf32, #tpu.memory_space<hbm>>
      tpu.wait_dma2 semaphore(%run_scoped3A : memref<!tpu.dma_semaphore, #tpu.memory_space<semaphore_mem>>) src(%arg6 : memref<32x1024xf32, #tpu.memory_space<vmem>>) dst(%dma_wait3A_80 : memref<32x1024xf32, #tpu.memory_space<hbm>>)
      tpu.yield
    }) : () -> ()
    %dma_start3A_41 = arith.constant 2 : i32
    %dma_start3A_42 = arith.constant 0 : i32
    %dma_start3A_43 = tpu.memref_slice %arg5[%dma_start3A_41, %dma_start3A_42] : memref<4x32xi32, #tpu.memory_space<vmem>> -> memref<1x32xi32, #tpu.memory_space<vmem>>
    %dma_start3A_44 = tpu.memref_squeeze %dma_start3A_43 : memref<1x32xi32, #tpu.memory_space<vmem>> -> memref<32xi32, #tpu.memory_space<vmem>>
    %dma_start3A_45 = arith.constant 0 : i32
    %dma_start3A_46 = arith.constant 0 : i32
    %dma_start3A_47 = tpu.memref_slice %arg4[%dma_start3A_45, %dma_start3A_46] : memref<9224x1024xf32, #tpu.memory_space<hbm>> -> memref<9224x1024xf32, #tpu.memory_space<hbm>>
    tpu.enqueue_indirect_dma source(%arg6 : memref<32x1024xf32, #tpu.memory_space<vmem>>) target(%dma_start3A_47 : memref<9224x1024xf32, #tpu.memory_space<hbm>>) offsets(%dma_start3A_44 : memref<32xi32, #tpu.memory_space<vmem>>) semaphore(%arg7 : memref<!tpu.dma_semaphore, #tpu.memory_space<semaphore_mem>>)
    %dma_wait3A_48 = arith.constant 2 : i32
    %dma_wait3A_49 = arith.constant 0 : i32
    %dma_wait3A_50 = tpu.memref_slice %arg5[%dma_wait3A_48, %dma_wait3A_49] : memref<4x32xi32, #tpu.memory_space<vmem>> -> memref<1x32xi32, #tpu.memory_space<vmem>>
    %dma_wait3A_51 = tpu.memref_squeeze %dma_wait3A_50 : memref<1x32xi32, #tpu.memory_space<vmem>> -> memref<32xi32, #tpu.memory_space<vmem>>
    %dma_wait3A_52 = arith.constant 0 : i32
    %dma_wait3A_53 = arith.constant 0 : i32
    %dma_wait3A_54 = tpu.memref_slice %arg4[%dma_wait3A_52, %dma_wait3A_53] : memref<9224x1024xf32, #tpu.memory_space<hbm>> -> memref<9224x1024xf32, #tpu.memory_space<hbm>>
    tpu.wait_indirect_dma semaphore(%arg7 : memref<!tpu.dma_semaphore, #tpu.memory_space<semaphore_mem>>) src(%arg6 : memref<32x1024xf32, #tpu.memory_space<vmem>>) dst(%dma_wait3A_54 : memref<9224x1024xf32, #tpu.memory_space<hbm>>)
    %add3A_55 = arith.constant 96 : i32
    %add3A_56 = arith.addi %mul3A_2, %add3A_55 : i32
    "tpu.region"() ({
      %run_scoped3A = tpu.sem_alloc : memref<!tpu.dma_semaphore, #tpu.memory_space<semaphore_mem>>
      %dma_start3A_73 = arith.constant 0 : i32
      %dma_start3A_74 = tpu.memref_slice %arg2[%add3A_56, %dma_start3A_73] : memref<4096x1024xf32, #tpu.memory_space<hbm>> -> memref<32x1024xf32, #tpu.memory_space<hbm>>
      %dma_start3A_75 = arith.constant 0 : i32
      %dma_start3A_76 = tpu.memref_slice %arg2[%add3A_56, %dma_start3A_75] : memref<4096x1024xf32, #tpu.memory_space<hbm>> -> memref<32x1024xf32, #tpu.memory_space<hbm>>
      tpu.enqueue_dma source(%dma_start3A_76 : memref<32x1024xf32, #tpu.memory_space<hbm>>) target(%arg6 : memref<32x1024xf32, #tpu.memory_space<vmem>>) target_semaphore(%run_scoped3A : memref<!tpu.dma_semaphore, #tpu.memory_space<semaphore_mem>>)
      %dma_wait3A_77 = arith.constant 0 : i32
      %dma_wait3A_78 = tpu.memref_slice %arg2[%add3A_56, %dma_wait3A_77] : memref<4096x1024xf32, #tpu.memory_space<hbm>> -> memref<32x1024xf32, #tpu.memory_space<hbm>>
      %dma_wait3A_79 = arith.constant 0 : i32
      %dma_wait3A_80 = tpu.memref_slice %arg2[%add3A_56, %dma_wait3A_79] : memref<4096x1024xf32, #tpu.memory_space<hbm>> -> memref<32x1024xf32, #tpu.memory_space<hbm>>
      tpu.wait_dma2 semaphore(%run_scoped3A : memref<!tpu.dma_semaphore, #tpu.memory_space<semaphore_mem>>) src(%dma_wait3A_80 : memref<32x1024xf32, #tpu.memory_space<hbm>>) dst(%arg6 : memref<32x1024xf32, #tpu.memory_space<vmem>>)
      tpu.yield
    }) : () -> ()
    %add3A_57 = arith.constant 5128 : i32
    %add3A_58 = arith.addi %add3A_57, %add3A_56 : i32
    "tpu.region"() ({
      %run_scoped3A = tpu.sem_alloc : memref<!tpu.dma_semaphore, #tpu.memory_space<semaphore_mem>>
      %dma_start3A_73 = arith.constant 0 : i32
      %dma_start3A_74 = tpu.memref_slice %arg4[%add3A_58, %dma_start3A_73] : memref<9224x1024xf32, #tpu.memory_space<hbm>> -> memref<32x1024xf32, #tpu.memory_space<hbm>>
      %dma_start3A_75 = arith.constant 0 : i32
      %dma_start3A_76 = tpu.memref_slice %arg4[%add3A_58, %dma_start3A_75] : memref<9224x1024xf32, #tpu.memory_space<hbm>> -> memref<32x1024xf32, #tpu.memory_space<hbm>>
      tpu.enqueue_dma source(%arg6 : memref<32x1024xf32, #tpu.memory_space<vmem>>) target(%dma_start3A_76 : memref<32x1024xf32, #tpu.memory_space<hbm>>) target_semaphore(%run_scoped3A : memref<!tpu.dma_semaphore, #tpu.memory_space<semaphore_mem>>)
      %dma_wait3A_77 = arith.constant 0 : i32
      %dma_wait3A_78 = tpu.memref_slice %arg4[%add3A_58, %dma_wait3A_77] : memref<9224x1024xf32, #tpu.memory_space<hbm>> -> memref<32x1024xf32, #tpu.memory_space<hbm>>
      %dma_wait3A_79 = arith.constant 0 : i32
      %dma_wait3A_80 = tpu.memref_slice %arg4[%add3A_58, %dma_wait3A_79] : memref<9224x1024xf32, #tpu.memory_space<hbm>> -> memref<32x1024xf32, #tpu.memory_space<hbm>>
      tpu.wait_dma2 semaphore(%run_scoped3A : memref<!tpu.dma_semaphore, #tpu.memory_space<semaphore_mem>>) src(%arg6 : memref<32x1024xf32, #tpu.memory_space<vmem>>) dst(%dma_wait3A_80 : memref<32x1024xf32, #tpu.memory_space<hbm>>)
      tpu.yield
    }) : () -> ()
    %dma_start3A_59 = arith.constant 3 : i32
    %dma_start3A_60 = arith.constant 0 : i32
    %dma_start3A_61 = tpu.memref_slice %arg5[%dma_start3A_59, %dma_start3A_60] : memref<4x32xi32, #tpu.memory_space<vmem>> -> memref<1x32xi32, #tpu.memory_space<vmem>>
    %dma_start3A_62 = tpu.memref_squeeze %dma_start3A_61 : memref<1x32xi32, #tpu.memory_space<vmem>> -> memref<32xi32, #tpu.memory_space<vmem>>
    %dma_start3A_63 = arith.constant 0 : i32
    %dma_start3A_64 = arith.constant 0 : i32
    %dma_start3A_65 = tpu.memref_slice %arg4[%dma_start3A_63, %dma_start3A_64] : memref<9224x1024xf32, #tpu.memory_space<hbm>> -> memref<9224x1024xf32, #tpu.memory_space<hbm>>
    tpu.enqueue_indirect_dma source(%arg6 : memref<32x1024xf32, #tpu.memory_space<vmem>>) target(%dma_start3A_65 : memref<9224x1024xf32, #tpu.memory_space<hbm>>) offsets(%dma_start3A_62 : memref<32xi32, #tpu.memory_space<vmem>>) semaphore(%arg7 : memref<!tpu.dma_semaphore, #tpu.memory_space<semaphore_mem>>)
    %dma_wait3A_66 = arith.constant 3 : i32
    %dma_wait3A_67 = arith.constant 0 : i32
    %dma_wait3A_68 = tpu.memref_slice %arg5[%dma_wait3A_66, %dma_wait3A_67] : memref<4x32xi32, #tpu.memory_space<vmem>> -> memref<1x32xi32, #tpu.memory_space<vmem>>
    %dma_wait3A_69 = tpu.memref_squeeze %dma_wait3A_68 : memref<1x32xi32, #tpu.memory_space<vmem>> -> memref<32xi32, #tpu.memory_space<vmem>>
    %dma_wait3A_70 = arith.constant 0 : i32
    %dma_wait3A_71 = arith.constant 0 : i32
    %dma_wait3A_72 = tpu.memref_slice %arg4[%dma_wait3A_70, %dma_wait3A_71] : memref<9224x1024xf32, #tpu.memory_space<hbm>> -> memref<9224x1024xf32, #tpu.memory_space<hbm>>
    tpu.wait_indirect_dma semaphore(%arg7 : memref<!tpu.dma_semaphore, #tpu.memory_space<semaphore_mem>>) src(%arg6 : memref<32x1024xf32, #tpu.memory_space<vmem>>) dst(%dma_wait3A_72 : memref<9224x1024xf32, #tpu.memory_space<hbm>>)
    return
  }
}

module attributes {stable_mosaic.version = 14 : i64} {
  func.func @_router_body(%arg0: i32, %arg1: memref<512x1024xf32, #tpu.memory_space<vmem>>, %arg2: memref<4096x1024xf32, #tpu.memory_space<vmem>>, %arg3: memref<1x4096xf32, #tpu.memory_space<vmem>>, %arg4: memref<8x4096xf32, #tpu.memory_space<vmem>>, %arg5: memref<1x8xf32, #tpu.memory_space<vmem>>, %arg6: memref<512x8xf32, #tpu.memory_space<vmem>>, %arg7: memref<512x1xi32, #tpu.memory_space<vmem>>, %arg8: memref<512x1xi32, #tpu.memory_space<vmem>>, %arg9: memref<1x8xf32, #tpu.memory_space<vmem>>) attributes {dimension_semantics = [#tpu.dimension_semantics<arbitrary>], iteration_bounds = array<i64: 8>, scalar_prefetch = 0 : i64, scratch_operands = 1 : i64, tpu.core_type = #tpu.core_type<tc>, window_params = [{transform_indices = @transform_0, window_bounds = array<i64: 512, 1024>}, {pipeline_mode = #tpu.pipeline_mode<synchronous>, transform_indices = @transform_1, window_bounds = array<i64: 4096, 1024>}, {pipeline_mode = #tpu.pipeline_mode<synchronous>, transform_indices = @transform_2, window_bounds = array<i64: 1, 4096>}, {pipeline_mode = #tpu.pipeline_mode<synchronous>, transform_indices = @transform_3, window_bounds = array<i64: 8, 4096>}, {pipeline_mode = #tpu.pipeline_mode<synchronous>, transform_indices = @transform_4, window_bounds = array<i64: 1, 8>}, {transform_indices = @transform_5, window_bounds = array<i64: 512, 8>}, {transform_indices = @transform_6, window_bounds = array<i64: 512, 1>}, {transform_indices = @transform_7, window_bounds = array<i64: 512, 1>}]} {
    %eq3A = arith.constant 0 : i32
    %eq3A_0 = arith.cmpi eq, %arg0, %eq3A : i32
    %convert_element_type3A = arith.extui %eq3A_0 : i1 to i32
    %cond3A = arith.constant 0 : i32
    %cond3A_1 = arith.cmpi ne, %convert_element_type3A, %cond3A : i32
    scf.if %cond3A_1 {
      %broadcast_in_dim3A_94 = arith.constant 0.000000e+00 : f32
      %broadcast_in_dim3A_95 = vector.broadcast %broadcast_in_dim3A_94 : f32 to vector<1x8xf32>
      %swap3A_96 = arith.constant 0 : index
      %swap3A_97 = arith.constant 0 : index
      %swap3A_98 = vector.load %arg9[%swap3A_96, %swap3A_97] : memref<1x8xf32, #tpu.memory_space<vmem>>, vector<1x8xf32>
      tpu.vector_store %arg9[%swap3A_96, %swap3A_97], %broadcast_in_dim3A_95 {strides = array<i32>} : memref<1x8xf32, #tpu.memory_space<vmem>>, vector<1x8xf32>,
    } else {
    }
    %get3A = arith.constant 0 : index
    %get3A_2 = arith.constant 0 : index
    %get3A_3 = vector.load %arg1[%get3A, %get3A_2] : memref<512x1024xf32, #tpu.memory_space<vmem>>, vector<512x1024xf32>
    %get3A_4 = arith.constant 0 : index
    %get3A_5 = arith.constant 0 : index
    %get3A_6 = vector.load %arg2[%get3A_4, %get3A_5] : memref<4096x1024xf32, #tpu.memory_space<vmem>>, vector<4096x1024xf32>
    %convert_element_type3A_7 = arith.truncf %get3A_3 : vector<512x1024xf32> to vector<512x1024xbf16>
    %convert_element_type3A_8 = arith.truncf %get3A_6 : vector<4096x1024xf32> to vector<4096x1024xbf16>
    %dot_general3A = arith.constant dense<0.000000e+00> : vector<512x4096xf32>
    %dot_general3A_9 = tpu.matmul %convert_element_type3A_7, %convert_element_type3A_8, %dot_general3A {dimension_numbers = #tpu.dot_dimension_numbers<[1], [1], [0], [0], [0, 0, 1, 0], [], []>, transpose_lhs_hint = false} : vector<512x1024xbf16>, vector<4096x1024xbf16>, vector<512x4096xf32> -> vector<512x4096xf32>
    %get3A_10 = arith.constant 0 : index
    %get3A_11 = arith.constant 0 : index
    %get3A_12 = vector.load %arg3[%get3A_10, %get3A_11] : memref<1x4096xf32, #tpu.memory_space<vmem>>, vector<1x4096xf32>
    %add3A = vector.broadcast %get3A_12 : vector<1x4096xf32> to vector<512x4096xf32>
    %add3A_13 = arith.addf %dot_general3A_9, %add3A : vector<512x4096xf32>
    %mul3A = arith.constant 5.000000e-01 : f32
    %mul3A_14 = vector.broadcast %mul3A : f32 to vector<512x4096xf32>
    %mul3A_15 = arith.mulf %mul3A_14, %add3A_13 : vector<512x4096xf32>
    %mul3A_16 = arith.constant 0.707106769 : f32
    %mul3A_17 = vector.broadcast %mul3A_16 : f32 to vector<512x4096xf32>
    %mul3A_18 = arith.mulf %add3A_13, %mul3A_17 : vector<512x4096xf32>
    %erf3A = math.erf %mul3A_18 : vector<512x4096xf32>
    %add3A_19 = arith.constant 1.000000e+00 : f32
    %add3A_20 = vector.broadcast %add3A_19 : f32 to vector<512x4096xf32>
    %add3A_21 = arith.addf %add3A_20, %erf3A : vector<512x4096xf32>
    %mul3A_22 = arith.mulf %mul3A_15, %add3A_21 : vector<512x4096xf32>
    %get3A_23 = arith.constant 0 : index
    %get3A_24 = arith.constant 0 : index
    %get3A_25 = vector.load %arg4[%get3A_23, %get3A_24] : memref<8x4096xf32, #tpu.memory_space<vmem>>, vector<8x4096xf32>
    %convert_element_type3A_26 = arith.truncf %mul3A_22 : vector<512x4096xf32> to vector<512x4096xbf16>
    %convert_element_type3A_27 = arith.truncf %get3A_25 : vector<8x4096xf32> to vector<8x4096xbf16>
    %dot_general3A_28 = arith.constant dense<0.000000e+00> : vector<512x8xf32>
    %dot_general3A_29 = tpu.matmul %convert_element_type3A_26, %convert_element_type3A_27, %dot_general3A_28 {dimension_numbers = #tpu.dot_dimension_numbers<[1], [1], [0], [0], [0, 0, 1, 0], [], []>, transpose_lhs_hint = false} : vector<512x4096xbf16>, vector<8x4096xbf16>, vector<512x8xf32> -> vector<512x8xf32>
    %get3A_30 = arith.constant 0 : index
    %get3A_31 = arith.constant 0 : index
    %get3A_32 = vector.load %arg5[%get3A_30, %get3A_31] : memref<1x8xf32, #tpu.memory_space<vmem>>, vector<1x8xf32>
    %add3A_33 = vector.broadcast %get3A_32 : vector<1x8xf32> to vector<512x8xf32>
    %add3A_34 = arith.addf %dot_general3A_29, %add3A_33 : vector<512x8xf32>
    %swap3A = arith.constant 0 : index
    %swap3A_35 = arith.constant 0 : index
    %swap3A_36 = vector.load %arg6[%swap3A, %swap3A_35] : memref<512x8xf32, #tpu.memory_space<vmem>>, vector<512x8xf32>
    tpu.vector_store %arg6[%swap3A, %swap3A_35], %add3A_34 {strides = array<i32>} : memref<512x8xf32, #tpu.memory_space<vmem>>, vector<512x8xf32>,
    %reduce_max3A = arith.constant dense<0xFF800000> : vector<512xf32>
    %reduce_max3A_37 = vector.multi_reduction <maximumf>, %add3A_34, %reduce_max3A [1] : vector<512x8xf32> to vector<512xf32>
    %broadcast_in_dim3A = vector.shape_cast %reduce_max3A_37 : vector<512xf32> to vector<512x1xf32>
    %iota3A = tpu.iota {dimensions = array<i32: 1>} : vector<512x8xi32>
    %eq3A_38 = vector.broadcast %broadcast_in_dim3A : vector<512x1xf32> to vector<512x8xf32>
    %eq3A_39 = arith.cmpf oeq, %add3A_34, %eq3A_38 : vector<512x8xf32>
    %jit3A = arith.constant 8 : i32
    %broadcast_in_dim3A_40 = vector.broadcast %jit3A : i32 to vector<512x8xi32>
    %select_n3A = arith.select %eq3A_39, %iota3A, %broadcast_in_dim3A_40 : vector<512x8xi1>, vector<512x8xi32>
    %reduce_min3A = arith.constant dense<2147483647> : vector<512xi32>
    %reduce_min3A_41 = vector.multi_reduction <minsi>, %select_n3A, %reduce_min3A [1] : vector<512x8xi32> to vector<512xi32>
    %broadcast_in_dim3A_42 = vector.shape_cast %reduce_min3A_41 : vector<512xi32> to vector<512x1xi32>
    %eq3A_43 = vector.broadcast %broadcast_in_dim3A_42 : vector<512x1xi32> to vector<512x8xi32>
    %eq3A_44 = arith.cmpi eq, %iota3A, %eq3A_43 : vector<512x8xi32>
    %convert_element_type3A_45 = arith.extui %eq3A_44 : vector<512x8xi1> to vector<512x8xi32>
    %convert_element_type3A_46 = arith.sitofp %convert_element_type3A_45 : vector<512x8xi32> to vector<512x8xf32>
    %iota3A_47 = tpu.iota {dimensions = array<i32: 0>} : vector<512x512xi32>
    %iota3A_48 = tpu.iota {dimensions = array<i32: 1>} : vector<512x512xi32>
    %ge3A = arith.cmpi sge, %iota3A_47, %iota3A_48 : vector<512x512xi32>
    %convert_element_type3A_49 = arith.extui %ge3A : vector<512x512xi1> to vector<512x512xi32>
    %convert_element_type3A_50 = arith.sitofp %convert_element_type3A_49 : vector<512x512xi32> to vector<512x512xf32>
    %convert_element_type3A_51 = arith.truncf %convert_element_type3A_50 : vector<512x512xf32> to vector<512x512xbf16>
    %convert_element_type3A_52 = arith.truncf %convert_element_type3A_46 : vector<512x8xf32> to vector<512x8xbf16>
    %dot_general3A_53 = arith.constant dense<0.000000e+00> : vector<512x8xf32>
    %dot_general3A_54 = tpu.matmul %convert_element_type3A_51, %convert_element_type3A_52, %dot_general3A_53 {dimension_numbers = #tpu.dot_dimension_numbers<[1], [0], [0], [1], [0, 0, 1, 1], [], []>, transpose_lhs_hint = false} : vector<512x512xbf16>, vector<512x8xbf16>, vector<512x8xf32> -> vector<512x8xf32>
    %get3A_55 = arith.constant 0 : index
    %get3A_56 = arith.constant 0 : index
    %get3A_57 = vector.load %arg9[%get3A_55, %get3A_56] : memref<1x8xf32, #tpu.memory_space<vmem>>, vector<1x8xf32>
    %add3A_58 = vector.broadcast %get3A_57 : vector<1x8xf32> to vector<512x8xf32>
    %add3A_59 = arith.addf %dot_general3A_54, %add3A_58 : vector<512x8xf32>
    %mul3A_60 = arith.mulf %convert_element_type3A_46, %add3A_59 : vector<512x8xf32>
    %reduce_sum3A = arith.constant dense<0.000000e+00> : vector<512xf32>
    %reduce_sum3A_61 = vector.multi_reduction <add>, %mul3A_60, %reduce_sum3A [1] : vector<512x8xf32> to vector<512xf32>
    %broadcast_in_dim3A_62 = vector.shape_cast %reduce_sum3A_61 : vector<512xf32> to vector<512x1xf32>
    %sub3A = arith.constant 1.000000e+00 : f32
    %sub3A_63 = vector.broadcast %sub3A : f32 to vector<512x1xf32>
    %sub3A_64 = arith.subf %broadcast_in_dim3A_62, %sub3A_63 : vector<512x1xf32>
    %slice3A = vector.extract_strided_slice %dot_general3A_54 {offsets = [511, 0], sizes = [1, 8], strides = [1, 1]} : vector<512x8xf32> to vector<1x8xf32>
    %add3A_65 = arith.addf %get3A_57, %slice3A : vector<1x8xf32>
    %swap3A_66 = arith.constant 0 : index
    %swap3A_67 = arith.constant 0 : index
    %swap3A_68 = vector.load %arg9[%swap3A_66, %swap3A_67] : memref<1x8xf32, #tpu.memory_space<vmem>>, vector<1x8xf32>
    tpu.vector_store %arg9[%swap3A_66, %swap3A_67], %add3A_65 {strides = array<i32>} : memref<1x8xf32, #tpu.memory_space<vmem>>, vector<1x8xf32>,
    %convert_element_type3A_69 = arith.fptosi %sub3A_64 : vector<512x1xf32> to vector<512x1xi32>
    %lt3A = arith.constant 640 : i32
    %lt3A_70 = vector.broadcast %lt3A : i32 to vector<512x1xi32>
    %lt3A_71 = arith.cmpi slt, %convert_element_type3A_69, %lt3A_70 : vector<512x1xi32>
    %mul3A_72 = arith.constant 640 : i32
    %mul3A_73 = vector.broadcast %mul3A_72 : i32 to vector<512x1xi32>
    %mul3A_74 = arith.muli %broadcast_in_dim3A_42, %mul3A_73 : vector<512x1xi32>
    %add3A_75 = arith.addi %mul3A_74, %convert_element_type3A_69 : vector<512x1xi32>
    %jit3A_76 = arith.constant 5120 : i32
    %broadcast_in_dim3A_77 = vector.broadcast %jit3A_76 : i32 to vector<512x1xi32>
    %select_n3A_78 = arith.select %lt3A_71, %add3A_75, %broadcast_in_dim3A_77 : vector<512x1xi1>, vector<512x1xi32>
    %swap3A_79 = arith.constant 0 : index
    %swap3A_80 = arith.constant 0 : index
    %swap3A_81 = vector.load %arg7[%swap3A_79, %swap3A_80] : memref<512x1xi32, #tpu.memory_space<vmem>>, vector<512x1xi32>
    tpu.vector_store %arg7[%swap3A_79, %swap3A_80], %select_n3A_78 {strides = array<i32>} : memref<512x1xi32, #tpu.memory_space<vmem>>, vector<512x1xi32>,
    %mul3A_82 = arith.constant 512 : i32
    %mul3A_83 = arith.muli %arg0, %mul3A_82 : i32
    %iota3A_84 = tpu.iota {dimensions = array<i32: 0>} : vector<512x1xi32>
    %add3A_85 = vector.broadcast %mul3A_83 : i32 to vector<512x1xi32>
    %add3A_86 = arith.addi %add3A_85, %iota3A_84 : vector<512x1xi32>
    %add3A_87 = arith.constant 5128 : i32
    %add3A_88 = vector.broadcast %add3A_87 : i32 to vector<512x1xi32>
    %add3A_89 = arith.addi %add3A_88, %add3A_86 : vector<512x1xi32>
    %select_n3A_90 = arith.select %lt3A_71, %add3A_75, %add3A_89 : vector<512x1xi1>, vector<512x1xi32>
    %swap3A_91 = arith.constant 0 : index
    %swap3A_92 = arith.constant 0 : index
    %swap3A_93 = vector.load %arg8[%swap3A_91, %swap3A_92] : memref<512x1xi32, #tpu.memory_space<vmem>>, vector<512x1xi32>
    tpu.vector_store %arg8[%swap3A_91, %swap3A_92], %select_n3A_90 {strides = array<i32>} : memref<512x1xi32, #tpu.memory_space<vmem>>, vector<512x1xi32>,
    return
  }
  func.func @transform_0(%arg0: i32) -> (i32, i32) {
    %c0_i32 = arith.constant 0 : i32
    %c0_i32_0 = arith.constant 0 : i32
    return %arg0, %c0_i32 : i32, i32
  }
  func.func @transform_1(%arg0: i32) -> (i32, i32) {
    %c0_i32 = arith.constant 0 : i32
    %c0_i32_0 = arith.constant 0 : i32
    %c0_i32_1 = arith.constant 0 : i32
    return %c0_i32, %c0_i32_0 : i32, i32
  }
  func.func @transform_2(%arg0: i32) -> (i32, i32) {
    %c0_i32 = arith.constant 0 : i32
    %c0_i32_0 = arith.constant 0 : i32
    %c0_i32_1 = arith.constant 0 : i32
    return %c0_i32, %c0_i32_0 : i32, i32
  }
  func.func @transform_3(%arg0: i32) -> (i32, i32) {
    %c0_i32 = arith.constant 0 : i32
    %c0_i32_0 = arith.constant 0 : i32
    %c0_i32_1 = arith.constant 0 : i32
    return %c0_i32, %c0_i32_0 : i32, i32
  }
  func.func @transform_4(%arg0: i32) -> (i32, i32) {
    %c0_i32 = arith.constant 0 : i32
    %c0_i32_0 = arith.constant 0 : i32
    %c0_i32_1 = arith.constant 0 : i32
    return %c0_i32, %c0_i32_0 : i32, i32
  }
  func.func @transform_5(%arg0: i32) -> (i32, i32) {
    %c0_i32 = arith.constant 0 : i32
    %c0_i32_0 = arith.constant 0 : i32
    return %arg0, %c0_i32 : i32, i32
  }
  func.func @transform_6(%arg0: i32) -> (i32, i32) {
    %c0_i32 = arith.constant 0 : i32
    %c0_i32_0 = arith.constant 0 : i32
    return %arg0, %c0_i32 : i32, i32
  }
  func.func @transform_7(%arg0: i32) -> (i32, i32) {
    %c0_i32 = arith.constant 0 : i32
    %c0_i32_0 = arith.constant 0 : i32
    return %arg0, %c0_i32 : i32, i32
  }
}

module attributes {stable_mosaic.version = 14 : i64} {
  func.func @body(%arg0: i32, %arg1: i32, %arg2: memref<640x1024xf32, #tpu.memory_space<vmem>>, %arg3: memref<1x1024x1024xf32, #tpu.memory_space<vmem>>, %arg4: memref<1x1024x1024xf32, #tpu.memory_space<vmem>>, %arg5: memref<640x1024xf32, #tpu.memory_space<vmem>>, %arg6: memref<640x1024xf32, #tpu.memory_space<vmem>>) attributes {dimension_semantics = [#tpu.dimension_semantics<arbitrary>, #tpu.dimension_semantics<arbitrary>], iteration_bounds = array<i64: 8, 4>, scalar_prefetch = 0 : i64, scratch_operands = 1 : i64, tpu.core_type = #tpu.core_type<tc>, window_params = [{transform_indices = @transform_0, window_bounds = array<i64: 640, 1024>}, {transform_indices = @transform_1, window_bounds = array<i64: 1, 1024, 1024>}, {transform_indices = @transform_2, window_bounds = array<i64: 1, 1024, 1024>}, {transform_indices = @transform_3, window_bounds = array<i64: 640, 1024>}]} {
    %get3A = arith.constant 0 : index
    %get3A_0 = arith.constant 0 : index
    %get3A_1 = vector.load %arg2[%get3A, %get3A_0] : memref<640x1024xf32, #tpu.memory_space<vmem>>, vector<640x1024xf32>
    %get3A_2 = arith.constant 0 : index
    %get3A_3 = arith.constant 0 : index
    %get3A_4 = arith.constant 0 : index
    %get3A_5 = vector.load %arg3[%get3A_2, %get3A_3, %get3A_4] : memref<1x1024x1024xf32, #tpu.memory_space<vmem>>, vector<1x1024x1024xf32>
    %get3A_6 = vector.shape_cast %get3A_5 : vector<1x1024x1024xf32> to vector<1024x1024xf32>
    %convert_element_type3A = arith.truncf %get3A_1 : vector<640x1024xf32> to vector<640x1024xbf16>
    %convert_element_type3A_7 = arith.truncf %get3A_6 : vector<1024x1024xf32> to vector<1024x1024xbf16>
    %dot_general3A = arith.constant dense<0.000000e+00> : vector<640x1024xf32>
    %dot_general3A_8 = tpu.matmul %convert_element_type3A, %convert_element_type3A_7, %dot_general3A {dimension_numbers = #tpu.dot_dimension_numbers<[1], [0], [0], [1], [0, 0, 1, 1], [], []>, transpose_lhs_hint = false} : vector<640x1024xbf16>, vector<1024x1024xbf16>, vector<640x1024xf32> -> vector<640x1024xf32>
    %mul3A = arith.constant 5.000000e-01 : f32
    %mul3A_9 = vector.broadcast %mul3A : f32 to vector<640x1024xf32>
    %mul3A_10 = arith.mulf %mul3A_9, %dot_general3A_8 : vector<640x1024xf32>
    %mul3A_11 = arith.constant 0.707106769 : f32
    %mul3A_12 = vector.broadcast %mul3A_11 : f32 to vector<640x1024xf32>
    %mul3A_13 = arith.mulf %dot_general3A_8, %mul3A_12 : vector<640x1024xf32>
    %erf3A = math.erf %mul3A_13 : vector<640x1024xf32>
    %add3A = arith.constant 1.000000e+00 : f32
    %add3A_14 = vector.broadcast %add3A : f32 to vector<640x1024xf32>
    %add3A_15 = arith.addf %add3A_14, %erf3A : vector<640x1024xf32>
    %mul3A_16 = arith.mulf %mul3A_10, %add3A_15 : vector<640x1024xf32>
    %get3A_17 = arith.constant 0 : index
    %get3A_18 = arith.constant 0 : index
    %get3A_19 = arith.constant 0 : index
    %get3A_20 = vector.load %arg4[%get3A_17, %get3A_18, %get3A_19] : memref<1x1024x1024xf32, #tpu.memory_space<vmem>>, vector<1x1024x1024xf32>
    %get3A_21 = vector.shape_cast %get3A_20 : vector<1x1024x1024xf32> to vector<1024x1024xf32>
    %convert_element_type3A_22 = arith.truncf %mul3A_16 : vector<640x1024xf32> to vector<640x1024xbf16>
    %convert_element_type3A_23 = arith.truncf %get3A_21 : vector<1024x1024xf32> to vector<1024x1024xbf16>
    %dot_general3A_24 = arith.constant dense<0.000000e+00> : vector<640x1024xf32>
    %dot_general3A_25 = tpu.matmul %convert_element_type3A_22, %convert_element_type3A_23, %dot_general3A_24 {dimension_numbers = #tpu.dot_dimension_numbers<[1], [0], [0], [1], [0, 0, 1, 1], [], []>, transpose_lhs_hint = false} : vector<640x1024xbf16>, vector<1024x1024xbf16>, vector<640x1024xf32> -> vector<640x1024xf32>
    %eq3A = arith.constant 0 : i32
    %eq3A_26 = arith.cmpi eq, %arg1, %eq3A : i32
    %convert_element_type3A_27 = arith.extui %eq3A_26 : i1 to i32
    %cond3A = arith.constant 0 : i32
    %cond3A_28 = arith.cmpi ne, %convert_element_type3A_27, %cond3A : i32
    scf.if %cond3A_28 {
      %swap3A = arith.constant 0 : index
      %swap3A_38 = arith.constant 0 : index
      %swap3A_39 = vector.load %arg6[%swap3A, %swap3A_38] : memref<640x1024xf32, #tpu.memory_space<vmem>>, vector<640x1024xf32>
      tpu.vector_store %arg6[%swap3A, %swap3A_38], %dot_general3A_25 {strides = array<i32>} : memref<640x1024xf32, #tpu.memory_space<vmem>>, vector<640x1024xf32>,
    } else {
    }
    %gt3A = arith.constant 0 : i32
    %gt3A_29 = arith.cmpi sgt, %arg1, %gt3A : i32
    %convert_element_type3A_30 = arith.extui %gt3A_29 : i1 to i32
    %cond3A_31 = arith.constant 0 : i32
    %cond3A_32 = arith.cmpi ne, %convert_element_type3A_30, %cond3A_31 : i32
    scf.if %cond3A_32 {
      %get3A_38 = arith.constant 0 : index
      %get3A_39 = arith.constant 0 : index
      %get3A_40 = vector.load %arg6[%get3A_38, %get3A_39] : memref<640x1024xf32, #tpu.memory_space<vmem>>, vector<640x1024xf32>
      %add3A_41 = arith.addf %get3A_40, %dot_general3A_25 : vector<640x1024xf32>
      %swap3A = arith.constant 0 : index
      %swap3A_42 = arith.constant 0 : index
      %swap3A_43 = vector.load %arg6[%swap3A, %swap3A_42] : memref<640x1024xf32, #tpu.memory_space<vmem>>, vector<640x1024xf32>
      tpu.vector_store %arg6[%swap3A, %swap3A_42], %add3A_41 {strides = array<i32>} : memref<640x1024xf32, #tpu.memory_space<vmem>>, vector<640x1024xf32>,
    } else {
    }
    %eq3A_33 = arith.constant 3 : i32
    %eq3A_34 = arith.cmpi eq, %arg1, %eq3A_33 : i32
    %convert_element_type3A_35 = arith.extui %eq3A_34 : i1 to i32
    %cond3A_36 = arith.constant 0 : i32
    %cond3A_37 = arith.cmpi ne, %convert_element_type3A_35, %cond3A_36 : i32
    scf.if %cond3A_37 {
      %get3A_38 = arith.constant 0 : index
      %get3A_39 = arith.constant 0 : index
      %get3A_40 = vector.load %arg6[%get3A_38, %get3A_39] : memref<640x1024xf32, #tpu.memory_space<vmem>>, vector<640x1024xf32>
      %swap3A = arith.constant 0 : index
      %swap3A_41 = arith.constant 0 : index
      %swap3A_42 = vector.load %arg5[%swap3A, %swap3A_41] : memref<640x1024xf32, #tpu.memory_space<vmem>>, vector<640x1024xf32>
      tpu.vector_store %arg5[%swap3A, %swap3A_41], %get3A_40 {strides = array<i32>} : memref<640x1024xf32, #tpu.memory_space<vmem>>, vector<640x1024xf32>,
    } else {
    }
    return
  }
  func.func @transform_0(%arg0: i32, %arg1: i32) -> (i32, i32) {
    %c0_i32 = arith.constant 0 : i32
    %c0_i32_0 = arith.constant 0 : i32
    return %arg0, %c0_i32 : i32, i32
  }
  func.func @transform_1(%arg0: i32, %arg1: i32) -> (i32, i32, i32) {
    %c0_i32 = arith.constant 0 : i32
    %c0_i32_0 = arith.constant 0 : i32
    return %arg0, %c0_i32, %arg1 : i32, i32, i32
  }
  func.func @transform_2(%arg0: i32, %arg1: i32) -> (i32, i32, i32) {
    %c0_i32 = arith.constant 0 : i32
    %c0_i32_0 = arith.constant 0 : i32
    return %arg0, %arg1, %c0_i32 : i32, i32, i32
  }
  func.func @transform_3(%arg0: i32, %arg1: i32) -> (i32, i32) {
    %c0_i32 = arith.constant 0 : i32
    %c0_i32_0 = arith.constant 0 : i32
    return %arg0, %c0_i32 : i32, i32
  }
}

</mosaic_0001>

<sc_bundles>
// kernel: kernel.6.cloned.1.call-start
scs
__scs_entry_jumppad:
0x0: {  	(pc) =	sbr.rel $0x88, $3  }
0x1: {  	(tag) =	ssettag $0x0;
	lr =	simm.s32 $0x1  }
0x2: {  	[smem:$0x3F9A] =	sst lr;
	_ =	strace $0xD0000000  }
0x3: {  	_ = 	snop  }
0x4: {  	_ = 	snop  }
0x5: {  	_ = 	snop  }
0x6: {  	_ = 	snop  }
0x7: {  	_ = 	snop  }
__scs_overlays_trampoline_lowered:
0x8: {  	[smem:$0x3FA9] =	sst s0  }
0x9: {  	[smem:$0x3FAA] =	sst s1  }
0xa: {  	[smem:$0x3FAB] =	sst s2  }
0xb: {  	[smem:$0x3FAC] =	sst s3  }
0xc: {  	[smem:$0x3FAD] =	sst s4  }
0xd: {  	[smem:$0x3FAE] =	sst s5  }
0xe: {  	[smem:$0x3FAF] =	sst s6  }
0xf: {  	[smem:$0x3FB0] =	sst s7  }
0x10: {  	[smem:$0x3FB1] =	sst s8  }
0x11: {  	[smem:$0x3FB2] =	sst s9;
	s0 =	simm.s32 @!p0 $0x0  }
0x12: {  	s1 =	sld [smem:$0x3F98];
	s0 =	simm.s32 @p0 $0x1  }
0x13: {  	[smem:$0x3FB3] =	sst s0;
	s0 =	simm.s32 @!p1 $0x0  }
0x14: {  	s2 =	sld [smem:$0x3F97];
	s0 =	simm.s32 @p1 $0x1  }
0x15: {  	[smem:$0x3FB4] =	sst s0;
	s0 =	simm.s32 @!p2 $0x0  }
0x16: {  	s3 =	sld [smem:$0x3FDB];
	s0 =	simm.s32 @p2 $0x1  }
0x17: {  	s4 =	simm.s32 $0x1BF5;
	[smem:$0x3FB6] =	sst s0  }
0x18: {  	s0 =	sld [smem:$0x3F99];
	_ =	swait.ge [sflag:s4], $0x0  }
0x19: {  	s7 =	sld [smem:$0x3F9A]  }
0x1a: {  	s8 =	sadd.s32 $0xFFFFE003, lr  }
0x1b: {  	s9 =	sadd.s32 $0xFFFFFEF7, lr;
	s5 =	simm.s32 $0xFFFFFFFF;
	p2 =	slt.u32 s8, $0xFFFFF086  }
0x1c: {  	p1 =	slt.u32 s9, $0xF7A;
	s5 =	simm.s32 @!p2 $0x0  }
0x1d: {  	s5 =	simm.s32 @p1 $0x1;
	p0 =	seq.s32 s7, s2  }
0x1e: {  	s7 =	smul.u32 @!p0 $0xF7A, s2;
	p2 =	seq.s32 @!p0 s5, $0x0  }
0x1f: {  	s9 =	smul.u32 $0xF7A, s1;
	s8 =	simm.s32 @!p0 $0x1BF5;
	p2 =	por !p2, p0  }
0x20: {  	[sflag:s8] =	ssyncset.s32 @!p0 $0xFFFFF086;
	s6 =	sadd.s32 @!p0 s3, s7;
	s7 =	simm.s32 @!p0 $0x108  }
0x21: {  	s3 =	sadd.s32 s3, s9;
	s6 =	sadd.s32 @!p0 $0x88, s6;
	s7 =	simm.s32 @p2 $0x1082  }
0x22: {  	[simem:s7], [sflag:s8] =	dma.local @!p0 [hbm:s6], $0xF7A  }
0x23: {  	s9 =	sor.u32 $0xD0000000, s2;
	s6 =	simm.s32 $0x108;
	_ =	swait.ge @!p0 [sflag:s8], $0x0  }
0x24: {  	s3 =	sadd.s32 $0x88, s3;
	s6 =	simm.s32 @!p1 $0x1082;
	[sflag:s4] =	ssyncset.s32 $0xFFFFF086  }
0x25: {  	[simem:s6], [sflag:s4] =	dma.local [hbm:s3], $0xF7A  }
0x26: {  	[smem:$0x3F9A] =	sst s1;
	(tag) =	ssettag s2;
	_ =	strace s9  }
0x27: {  	s1 =	sld [smem:$0x3FAA]  }
0x28: {  	s2 =	sld [smem:$0x3FAB]  }
0x29: {  	s4 =	sld [smem:$0x3FAD]  }
0x2a: {  	p0 =	seq.s32 s5, $0x0;
	s5 =	sld [smem:$0x3FAE]  }
0x2b: {  	s6 =	sld [smem:$0x3FAF]  }
0x2c: {  	s7 =	sld [smem:$0x3FB0]  }
0x2d: {  	s3 =	simm.s32 $0x108;
	s8 =	sld [smem:$0x3FB1]  }
0x2e: {  	s3 =	simm.s32 @!p0 $0x1082;
	s9 =	sld [smem:$0x3FB2]  }
0x2f: {  	lr =	sadd.s32 s0, s3;
	s0 =	sld [smem:$0x3FA9]  }
0x30: {  	s3 =	sld [smem:$0x3FAC]  }
0x31: {  	[smem:$0x3FB5] =	sst s10  }
0x32: {  	s10 =	sld [smem:$0x3FB3];
	_ =	sdelay $0x3  }
0x33: {  	p0 =	seq.s32 s10, $0x1;
	s10 =	sld [smem:$0x3FB5];
	_ =	sdelay $0x3  }
0x34: {  	[smem:$0x3FB5] =	sst s10  }
0x35: {  	s10 =	sld [smem:$0x3FB4];
	_ =	sdelay $0x3  }
0x36: {  	p1 =	seq.s32 s10, $0x1;
	s10 =	sld [smem:$0x3FB5];
	_ =	sdelay $0x3  }
0x37: {  	[smem:$0x3FB5] =	sst s10  }
0x38: {  	s10 =	sld [smem:$0x3FB6]  }
0x39: {  	_ = 	snop;
	(pc) =	sbr.ind lr, $3  }
0x3a: {  	_ = 	snop  }
0x3b: {  	_ = 	snop  }
0x3c: {  	p2 =	seq.s32 s10, $0x1;
	s10 =	sld [smem:$0x3FB5]  }
0x3d: {  	_ =	shalt  }
0x3e: {  	_ =	shalt  }
0x3f: {  	_ =	shalt  }
0x40: {  	_ =	shalt  }
0x41: {  	_ =	shalt  }
0x42: {  	_ =	shalt  }
0x43: {  	_ =	shalt  }
0x44: {  	_ =	shalt  }
0x45: {  	_ =	shalt  }
0x46: {  	_ =	shalt  }
0x47: {  	_ =	shalt  }
0x48: {  	_ =	shalt  }
0x49: {  	_ =	shalt  }
0x4a: {  	_ =	shalt  }
0x4b: {  	_ =	shalt  }
0x4c: {  	_ =	shalt  }
0x4d: {  	_ =	shalt  }
0x4e: {  	_ =	shalt  }
0x4f: {  	_ =	shalt  }
0x50: {  	_ =	shalt  }
0x51: {  	_ =	shalt  }
0x52: {  	_ =	shalt  }
0x53: {  	_ =	shalt  }
0x54: {  	_ =	shalt  }
0x55: {  	_ =	shalt  }
0x56: {  	_ =	shalt  }
0x57: {  	_ =	shalt  }
0x58: {  	_ =	shalt  }
0x59: {  	_ =	shalt  }
0x5a: {  	_ =	shalt  }
0x5b: {  	_ =	shalt  }
0x5c: {  	_ =	shalt  }
0x5d: {  	_ =	shalt  }
0x5e: {  	_ =	shalt  }
0x5f: {  	_ =	shalt  }
0x60: {  	_ =	shalt  }
0x61: {  	_ =	shalt  }
0x62: {  	_ =	shalt  }
0x63: {  	_ =	shalt  }
0x64: {  	_ =	shalt  }
0x65: {  	_ =	shalt  }
0x66: {  	_ =	shalt  }
0x67: {  	_ =	shalt  }
0x68: {  	_ =	shalt  }
0x69: {  	_ =	shalt  }
0x6a: {  	_ =	shalt  }
0x6b: {  	_ =	shalt  }
0x6c: {  	_ =	shalt  }
0x6d: {  	_ =	shalt  }
0x6e: {  	_ =	shalt  }
0x6f: {  	_ =	shalt  }
0x70: {  	_ =	shalt  }
0x71: {  	_ =	shalt  }
0x72: {  	_ =	shalt  }
0x73: {  	_ =	shalt  }
0x74: {  	_ =	shalt  }
0x75: {  	_ =	shalt  }
0x76: {  	_ =	shalt  }
0x77: {  	_ =	shalt  }
0x78: {  	_ =	shalt  }
0x79: {  	_ =	shalt  }
0x7a: {  	_ =	shalt  }
0x7b: {  	_ =	shalt  }
0x7c: {  	_ =	shalt  }
0x7d: {  	_ =	shalt  }
0x7e: {  	_ =	shalt  }
0x7f: {  	_ =	shalt  }
0x80: {  	_ =	shalt  }
0x81: {  	_ =	shalt  }
0x82: {  	_ =	shalt  }
0x83: {  	_ =	shalt  }
0x84: {  	_ =	shalt  }
0x85: {  	_ =	shalt  }
0x86: {  	_ =	shalt  }
0x87: {  	_ =	shalt  }
.Lfunc_end0:
.L_simem_size_0:
called_computation_lowered:
.L_overlay_start_0:
0x88: {  	s2 =	sld [smem:$0x3FD9]  }
0x89: {  	s3 =	sld [smem:$0x3FFE];
	_ =	sdelay $0x1  }
0x8a: {  	s1 =	srdreg.scid  }
0x8b: {  	s0 =	sand.u32 $0x1, s1  }
0x8c: {  	s14 =	sshll.u32 s0, $0xA;
	s2 =	sadd.s32 s3, s2  }
0x8d: {  	s2 =	sadd.s32 s2, s14  }
0x8e: {  	[smem:$0x3FC1] =	sst s2  }
0x8f: {  	_ = 	snop  }
0x90: {  	s2 =	sld [smem:$0x3FD0];
	_ =	sdelay $0x2  }
0x91: {  	s4 =	simm.s32 $0xA;
	s5 =	simm.s32 $0x10;
	s15 =	sld [smem:$0x3FC9]  }
0x92: {  	[smem:s5], [sflag:s4] =	dma.local [hbm:s2], $0x1  }
0x93: {  	_ =	swait.eq [sflag:s4], $0x1  }
0x94: {  	[sflag:s4] =	ssyncset.done $0x0  }
0x95: {  	[sflag:s4] =	ssyncadd.s32 $0xFFFFFFFF  }
0x96: {  	s16 =	sld [smem:$0x11];
	(tm) =	ssettm $0x1  }
0x97: {  	s17 =	sld [smem:$0x3FFB];
	_ =	sdelay $0x3  }
0x98: {  	_ =	strace s17  }
0x99: {  	s4 =	sld [smem:$0x3FFC];
	_ =	sdelay $0x3  }
0x9a: {  	_ =	strace s4  }
0x9b: {  	s4 =	sld [smem:$0x3FFD];
	_ =	sdelay $0x3  }
0x9c: {  	_ =	strace s4  }
0x9d: {  	_ =	strace $0x8FFFFFFF  }
0x9e: {  	s18 =	sld [smem:$0x3FDB];
	_ =	sdelay $0x1  }
0x9f: {  	s19 =	simm.s32 $_scs_section_size  }
0xa0: {  	s6 =	simm.s32 $_size__tile_overlayer_lowered;
	s7 =	simm.s32 $_tile_overlayer_lowered  }
0xa1: {  	s22 =	simm.s32 $0x1BFF;
	s21 =	sshll.u32 s7, $0x1;
	s4 =	sadd.s32 s19, s18  }
0xa2: {  	s8 =	simm.s32 $0x0;
	s20 =	sshll.u32 s6, $0x1;
	s6 =	sadd.s32 s21, s4  }
0xa3: {  	[timem:s8], [sflag:s22] =	dma.local [hbm:s6], s20  }
0xa4: {  	_ =	swait.ge [sflag:s22], s20  }
0xa5: {  	s5 =	ssub.s32 $0x0, s20;
	[sflag:s22] =	ssyncset.done $0x0  }
0xa6: {  	[sflag:s22] =	ssyncadd.s32 s5;
	_ =	sdelay $0x1  }
0xa7: {  	s23 =	simm.s32 $0x1B8B  }
0xa8: {  	_ =	swait.ge [sflag:s23], $0x1  }
0xa9: {  	[sflag:s23] =	ssyncset.done $0x0  }
0xaa: {  	s25 =	simm.s32 $0x1B8E;
	s24 =	sld [smem:$0x3FFE];
	[sflag:s23] =	ssyncadd.s32 $0xFFFFFFFF  }
0xab: {  	s26 =	simm.s32 $execute0_lowered;
	[smem:$0x3FD2] =	sst s25  }
0xac: {  	s6 =	sshll.u32 s26, $0x1;
	_ =	strace $0x80000046;
	[dreg:$0x1] =	wrdreg $0xFFFFFFFF  }
0xad: {  	s28 =	simm.s32 $_size_execute0_lowered;
	s4 =	sadd.s32 s4, s6;
	[dreg:$0x0] =	wrdreg $0x0  }
0xae: {  	s6 =	sshll.u32 s28, $0x1;
	[dreg:$0x2] =	wrdreg s4  }
0xaf: {  	[dreg:$0x3] =	wrdreg s6  }
0xb0: {  	[dreg:$0x4] =	wrdreg $0xC0  }
0xb1: {  	_ =	task [dreg:s8], $0x5FFFF  }
0xb2: {  	[dreg:$0x1] =	wrdreg $0xFFFFFFFF  }
0xb3: {  	[dreg:$0x0] =	wrdreg $0x60  }
0xb4: {  	[dreg:$0x2] =	wrdreg s15  }
0xb5: {  	[dreg:$0x3] =	wrdreg s16  }
0xb6: {  	[dreg:$0x4] =	wrdreg s24  }
0xb7: {  	[dreg:$0x5] =	wrdreg $0x9  }
0xb8: {  	_ =	task.clear_ibuf [dreg:s8], $0x6FFFF;
	_ =	strace $0x90000046  }
0xb9: {  	s29 =	simm.s32 $0x9;
	_ =	strace $0x80000048  }
0xba: {  	_ =	swait.ge [sflag:s29], $0x1  }
0xbb: {  	[sflag:s29] =	ssyncadd.s32 $0xFFFFFFFF  }
0xbc: {  	_ =	strace $0x90000048  }
0xbd: {  	_ =	sfence  }
0xbe: {  	s30 =	sld [smem:$0x0];
	_ =	sdelay $0x2  }
0xbf: {  	s31 =	sshll.u32 s1, $0xD;
	s1 =	sshrl.u32 s1, $0x2  }
0xc0: {  	s3 =	sand.u32 $0x4000, s31;
	s1 =	sadd.s32 s1, s30  }
0xc1: {  	s0 =	sor.u32 s3, s0;
	s1 =	sshll.u32 s1, $0x11  }
0xc2: {  	s0 =	sor.u32 s1, s0  }
0xc3: {  	s0 =	sadd.s32 $0x8F2B, s0  }
0xc4: {  	[sflag:s0] =	ssyncadd.remote.s32 $0x1  }
0xc5: {  	_ =	sfence.sel $0xFFFF  }
0xc6: {  	[dreg:$0x0] =	wrdreg $0xFFFFFFFF;
	(pc) =	sbr.abs _section_cstart, $3  }
0xc7: {  	[dreg:$0x1] =	wrdreg $0xFFFFFFFF  }
0xc8: {  	_ =	task.clear_ibuf [dreg:s8], $0x2FFFF;
	_ =	strace $0x9FFFFFFF  }
0xc9: {  	(tm) =	ssettm $0x7FFFFFFF  }
tec
execute0_lowered:
.L_overlay_start_1:
0x0: {  	(tag) =	ssettag $0x1  }
0x1: {  	s0 =	rddreg [dreg:$0x0]  }
0x2: {  	s4 =	rddreg [dreg:$0x1]  }
0x3: {  	s7 =	rddreg [dreg:$0x2];
	s2 =	simm.s32 $0x0  }
0x4: {  	s3 =	srdreg.scid;
	s1 =	stileid.u32;
	s14 =	simm.s32 $0x2  }
0x5: {  	s15 =	simm.s32 $0x200;
	s16 =	simm.s32 $0xA00;
	s17 =	simm.s32 $0x1200  }
0x6: {  	s18 =	simm.s32 $0x1A00;
	s19 =	simm.s32 $0x2200;
	s20 =	simm.s32 $0x2A00  }
0x7: {  	s21 =	simm.s32 $0x3200;
	s22 =	simm.s32 $0x3A00;
	s23 =	simm.s32 $0x4200  }
0x8: {  	s28 =	simm.s32 $0x6200;
	s29 =	simm.s32 $0x6A00;
	s30 =	simm.s32 $0x7200  }
0x9: {  	s31 =	simm.s32 $0x7A00;
	[smem:$0x7FF] =	sst s2;
	s5 =	sand.u32 $0x1, s3  }
0xa: {  	s6 =	sshll.u32 s1, $0x1;
	s3 =	sadd.s32 $0x10A00, s7;
	_ =	strace $0x80000047  }
0xb: {  	s8 =	ssub.s32 $0x2, s5;
	s5 =	sor.u32 s5, s6;
	s6 =	sadd.s32 $0x10C00, s7  }
0xc: {  	s24 =	sshrl.u32 s8, $0x1;
	s9 =	sshll.u32 s5, $0x6;
	s5 =	sshll.u32 s5, $0xE  }
0xd: {  	s13 =	ssub.s32 s8, s24;
	s4 =	sadd.s32 s4, s9;
	s12 =	sadd.s32 s3, s5  }
0xe: {  	s24 =	simm.s32 $0x4A00;
	[dreg:$0x4] =	wrdreg s4;
	s4 =	sadd.s32 s0, s5  }
0xf: {  	s25 =	sadd.s32 $0xA0400, s12;
	s5 =	sadd.s32 $0x10B00, s7;
	s7 =	sadd.s32 $0x10D00, s7  }
0x10: {  	s8 =	sadd.s32 $0xA1400, s12;
	s10 =	sadd.s32 $0xA2400, s12;
	s12 =	sadd.s32 $0xA3400, s12  }
0x11: {  	v2 =	vlaneseq.u32;
	s13 =	smax.u32 s13, $0x1;
	s0 =	simm.s32 $0x1;
	[dreg:$0x5] =	wrdreg s25  }
0x12: {  	vm0 =	vmmov $0xffff;
	v1 =	vshrl.u32 v2, $0x3;
	s26 =	sadd.s32 $0x1000, s4;
	s9 =	sadd.s32 $0x2000, s4;
	s11 =	sadd.s32 $0x3000, s4  }
0x13: {  	v0 =	vand.u32 $0x7, v2;
	v2 =	vor.u32 $0x8, v2;
	v1 =	vmul.u32 $0x8, v1;
	s25 =	simm.s32 $0x5200;
	[dreg:$0x6] =	wrdreg s26;
	s26 =	simm.s32 $0x5A00  }
.LBB2_1:
0x14: {  	s1 =	rddreg [dreg:$0x4]  }
0x15: {  	[tilespmem:s2], [sflag:$0x2] =	stream.linear.gather [hbm4b:s1+s2], $0x200, $0x38;
	[tilespmem:$0x8200] =	vst v63  }
0x16: {  	_ =	swait.ge [sflag:s14], $0x200  }
0x17: {  	[sflag:s14] =	ssyncset.done $0x0  }
0x18: {  	[sflag:s14] =	ssyncadd.s32 $0xFFFFFE00  }
0x19: {  	[tilespmem:s15], [sflag:$0x2] =	stream.linear.gather [hbm4b:s4+s2], $0x8000, $0x38;
	[tilespmem:$0x8200] =	vst v63  }
0x1a: {  	_ =	swait.ge [sflag:s14], $0x8000  }
0x1b: {  	[sflag:s14] =	ssyncset.done $0x0  }
0x1c: {  	s1 =	rddreg [dreg:$0x5];
	[sflag:s14] =	ssyncadd.s32 $0xFFFF8000  }
0x1d: {  	[hbm4b:s1+s2] =	stream.linear.scatter [tilespmem:s15], [sflag:$0x2], $0x8000, $0x38;
	[tilespmem:$0x8200] =	vst v63  }
0x1e: {  	_ =	swait.ge [sflag:s14], $0x8000  }
0x1f: {  	[sflag:s14] =	ssyncset.done $0x0  }
0x20: {  	[sflag:s14] =	ssyncadd.s32 $0xFFFF8000  }
0x21: {  	v3 =	vld [tilespmem:$0x0];
	_ =	sdelay $0x4  }
0x22: {  	v4 =	vshll.u32 v3, $0x3  }
0x23: {  	v3 =	vand.u32 $0x7, v3;
	v4 =	vand.u32 $0xFFFFFFC0, v4  }
0x24: {  	v3 =	vor.u32 v3, v4  }
0x25: {  	v4 =	vperm.xlane v3, v0;
	_ =	sdelay $0x1  }
0x26: {  	v4 =	vadd.s32 v1, v4;
	_ =	sdelay $0x4  }
0x27: {  	[hbm4b:s3+s2] =	stream.indirect_vreg.scatter [tilespmem:s15], [sflag:$0x1], $0x80, v4, vm0, $0xb8;
	[tilespmem:$0x8200] =	vst v63  }
0x28: {  	v3 =	vperm.xlane v3, v2  }
0x29: {  	[hbm4b:s5+s2] =	stream.indirect_vreg.scatter [tilespmem:s16], [sflag:$0x1], $0x80, v4, vm0, $0xb8;
	[tilespmem:$0x8200] =	vst v63  }
0x2a: {  	v3 =	vadd.s32 v1, v3  }
0x2b: {  	[hbm4b:s6+s2] =	stream.indirect_vreg.scatter [tilespmem:s17], [sflag:$0x1], $0x80, v4, vm0, $0xb8;
	[tilespmem:$0x8200] =	vst v63  }
0x2c: {  	_ = 	snop  }
0x2d: {  	[hbm4b:s7+s2] =	stream.indirect_vreg.scatter [tilespmem:s18], [sflag:$0x1], $0x80, v4, vm0, $0xb8;
	[tilespmem:$0x8200] =	vst v63  }
0x2e: {  	_ = 	snop  }
0x2f: {  	[hbm4b:s3+s2] =	stream.indirect_vreg.scatter [tilespmem:s19], [sflag:$0x1], $0x80, v3, vm0, $0xb8;
	[tilespmem:$0x8200] =	vst v63  }
0x30: {  	_ = 	snop  }
0x31: {  	[hbm4b:s5+s2] =	stream.indirect_vreg.scatter [tilespmem:s20], [sflag:$0x1], $0x80, v3, vm0, $0xb8;
	[tilespmem:$0x8200] =	vst v63  }
0x32: {  	_ = 	snop  }
0x33: {  	[hbm4b:s6+s2] =	stream.indirect_vreg.scatter [tilespmem:s21], [sflag:$0x1], $0x80, v3, vm0, $0xb8;
	[tilespmem:$0x8200] =	vst v63  }
0x34: {  	_ = 	snop  }
0x35: {  	[hbm4b:s7+s2] =	stream.indirect_vreg.scatter [tilespmem:s22], [sflag:$0x1], $0x80, v3, vm0, $0xb8;
	[tilespmem:$0x8200] =	vst v63  }
0x36: {  	v3 =	vld [tilespmem:$0x10];
	_ =	sdelay $0x4  }
0x37: {  	v57 =	vshll.u32 v3, $0x3  }
0x38: {  	v3 =	vand.u32 $0x7, v3;
	v4 =	vand.u32 $0xFFFFFFC0, v57  }
0x39: {  	v3 =	vor.u32 v3, v4  }
0x3a: {  	v4 =	vperm.xlane v3, v0;
	_ =	sdelay $0x1  }
0x3b: {  	v4 =	vadd.s32 v1, v4;
	_ =	sdelay $0x4  }
0x3c: {  	[hbm4b:s3+s2] =	stream.indirect_vreg.scatter [tilespmem:s23], [sflag:$0x1], $0x80, v4, vm0, $0xb8;
	[tilespmem:$0x8200] =	vst v63  }
0x3d: {  	v3 =	vperm.xlane v3, v2  }
0x3e: {  	[hbm4b:s5+s2] =	stream.indirect_vreg.scatter [tilespmem:s24], [sflag:$0x1], $0x80, v4, vm0, $0xb8;
	[tilespmem:$0x8200] =	vst v63  }
0x3f: {  	v3 =	vadd.s32 v1, v3  }
0x40: {  	[hbm4b:s6+s2] =	stream.indirect_vreg.scatter [tilespmem:s25], [sflag:$0x1], $0x80, v4, vm0, $0xb8;
	[tilespmem:$0x8200] =	vst v63  }
0x41: {  	_ = 	snop  }
0x42: {  	[hbm4b:s7+s2] =	stream.indirect_vreg.scatter [tilespmem:s26], [sflag:$0x1], $0x80, v4, vm0, $0xb8;
	[tilespmem:$0x8200] =	vst v63  }
0x43: {  	_ = 	snop  }
0x44: {  	[hbm4b:s3+s2] =	stream.indirect_vreg.scatter [tilespmem:s28], [sflag:$0x1], $0x80, v3, vm0, $0xb8;
	[tilespmem:$0x8200] =	vst v63  }
0x45: {  	_ = 	snop  }
0x46: {  	[hbm4b:s5+s2] =	stream.indirect_vreg.scatter [tilespmem:s29], [sflag:$0x1], $0x80, v3, vm0, $0xb8;
	[tilespmem:$0x8200] =	vst v63  }
0x47: {  	_ = 	snop  }
0x48: {  	[hbm4b:s6+s2] =	stream.indirect_vreg.scatter [tilespmem:s30], [sflag:$0x1], $0x80, v3, vm0, $0xb8;
	[tilespmem:$0x8200] =	vst v63  }
0x49: {  	_ = 	snop  }
0x4a: {  	[hbm4b:s7+s2] =	stream.indirect_vreg.scatter [tilespmem:s31], [sflag:$0x1], $0x80, v3, vm0, $0xb8;
	[tilespmem:$0x8200] =	vst v63  }
0x4b: {  	_ =	swait.ge [sflag:s0], $0x8000  }
0x4c: {  	[sflag:s0] =	ssyncset.done $0x0  }
0x4d: {  	s1 =	rddreg [dreg:$0x6];
	[sflag:s0] =	ssyncadd.s32 $0xFFFF8000  }
0x4e: {  	[tilespmem:s15], [sflag:$0x2] =	stream.linear.gather [hbm4b:s1+s2], $0x8000, $0x38;
	[tilespmem:$0x8200] =	vst v63  }
0x4f: {  	_ =	swait.ge [sflag:s14], $0x8000  }
0x50: {  	[sflag:s14] =	ssyncset.done $0x0  }
0x51: {  	[sflag:s14] =	ssyncadd.s32 $0xFFFF8000  }
0x52: {  	[hbm4b:s8+s2] =	stream.linear.scatter [tilespmem:s15], [sflag:$0x2], $0x8000, $0x38;
	[tilespmem:$0x8200] =	vst v63  }
0x53: {  	_ =	swait.ge [sflag:s14], $0x8000  }
0x54: {  	[sflag:s14] =	ssyncset.done $0x0  }
0x55: {  	[sflag:s14] =	ssyncadd.s32 $0xFFFF8000  }
0x56: {  	v3 =	vld [tilespmem:$0x80];
	_ =	sdelay $0x4  }
0x57: {  	v58 =	vshll.u32 v3, $0x3  }
0x58: {  	v3 =	vand.u32 $0x7, v3;
	v4 =	vand.u32 $0xFFFFFFC0, v58  }
0x59: {  	v3 =	vor.u32 v3, v4  }
0x5a: {  	v4 =	vperm.xlane v3, v0;
	_ =	sdelay $0x1  }
0x5b: {  	v4 =	vadd.s32 v1, v4;
	_ =	sdelay $0x4  }
0x5c: {  	[hbm4b:s3+s2] =	stream.indirect_vreg.scatter [tilespmem:s15], [sflag:$0x1], $0x80, v4, vm0, $0xb8;
	[tilespmem:$0x8200] =	vst v63  }
0x5d: {  	v3 =	vperm.xlane v3, v2  }
0x5e: {  	[hbm4b:s5+s2] =	stream.indirect_vreg.scatter [tilespmem:s16], [sflag:$0x1], $0x80, v4, vm0, $0xb8;
	[tilespmem:$0x8200] =	vst v63  }
0x5f: {  	v3 =	vadd.s32 v1, v3  }
0x60: {  	[hbm4b:s6+s2] =	stream.indirect_vreg.scatter [tilespmem:s17], [sflag:$0x1], $0x80, v4, vm0, $0xb8;
	[tilespmem:$0x8200] =	vst v63  }
0x61: {  	_ = 	snop  }
0x62: {  	[hbm4b:s7+s2] =	stream.indirect_vreg.scatter [tilespmem:s18], [sflag:$0x1], $0x80, v4, vm0, $0xb8;
	[tilespmem:$0x8200] =	vst v63  }
0x63: {  	_ = 	snop  }
0x64: {  	[hbm4b:s3+s2] =	stream.indirect_vreg.scatter [tilespmem:s19], [sflag:$0x1], $0x80, v3, vm0, $0xb8;
	[tilespmem:$0x8200] =	vst v63  }
0x65: {  	_ = 	snop  }
0x66: {  	[hbm4b:s5+s2] =	stream.indirect_vreg.scatter [tilespmem:s20], [sflag:$0x1], $0x80, v3, vm0, $0xb8;
	[tilespmem:$0x8200] =	vst v63  }
0x67: {  	_ = 	snop  }
0x68: {  	[hbm4b:s6+s2] =	stream.indirect_vreg.scatter [tilespmem:s21], [sflag:$0x1], $0x80, v3, vm0, $0xb8;
	[tilespmem:$0x8200] =	vst v63  }
0x69: {  	_ = 	snop  }
0x6a: {  	[hbm4b:s7+s2] =	stream.indirect_vreg.scatter [tilespmem:s22], [sflag:$0x1], $0x80, v3, vm0, $0xb8;
	[tilespmem:$0x8200] =	vst v63  }
0x6b: {  	v3 =	vld [tilespmem:$0x90];
	_ =	sdelay $0x4  }
0x6c: {  	v59 =	vshll.u32 v3, $0x3  }
0x6d: {  	v3 =	vand.u32 $0x7, v3;
	v4 =	vand.u32 $0xFFFFFFC0, v59  }
0x6e: {  	v3 =	vor.u32 v3, v4  }
0x6f: {  	v4 =	vperm.xlane v3, v0;
	_ =	sdelay $0x1  }
0x70: {  	v4 =	vadd.s32 v1, v4;
	_ =	sdelay $0x4  }
0x71: {  	[hbm4b:s3+s2] =	stream.indirect_vreg.scatter [tilespmem:s23], [sflag:$0x1], $0x80, v4, vm0, $0xb8;
	[tilespmem:$0x8200] =	vst v63  }
0x72: {  	v3 =	vperm.xlane v3, v2  }
0x73: {  	[hbm4b:s5+s2] =	stream.indirect_vreg.scatter [tilespmem:s24], [sflag:$0x1], $0x80, v4, vm0, $0xb8;
	[tilespmem:$0x8200] =	vst v63  }
0x74: {  	v3 =	vadd.s32 v1, v3  }
0x75: {  	[hbm4b:s6+s2] =	stream.indirect_vreg.scatter [tilespmem:s25], [sflag:$0x1], $0x80, v4, vm0, $0xb8;
	[tilespmem:$0x8200] =	vst v63  }
0x76: {  	_ = 	snop  }
0x77: {  	[hbm4b:s7+s2] =	stream.indirect_vreg.scatter [tilespmem:s26], [sflag:$0x1], $0x80, v4, vm0, $0xb8;
	[tilespmem:$0x8200] =	vst v63  }
0x78: {  	_ = 	snop  }
0x79: {  	[hbm4b:s3+s2] =	stream.indirect_vreg.scatter [tilespmem:s28], [sflag:$0x1], $0x80, v3, vm0, $0xb8;
	[tilespmem:$0x8200] =	vst v63  }
0x7a: {  	_ = 	snop  }
0x7b: {  	[hbm4b:s5+s2] =	stream.indirect_vreg.scatter [tilespmem:s29], [sflag:$0x1], $0x80, v3, vm0, $0xb8;
	[tilespmem:$0x8200] =	vst v63  }
0x7c: {  	_ = 	snop  }
0x7d: {  	[hbm4b:s6+s2] =	stream.indirect_vreg.scatter [tilespmem:s30], [sflag:$0x1], $0x80, v3, vm0, $0xb8;
	[tilespmem:$0x8200] =	vst v63  }
0x7e: {  	_ = 	snop  }
0x7f: {  	[hbm4b:s7+s2] =	stream.indirect_vreg.scatter [tilespmem:s31], [sflag:$0x1], $0x80, v3, vm0, $0xb8;
	[tilespmem:$0x8200] =	vst v63  }
0x80: {  	_ =	swait.ge [sflag:s0], $0x8000  }
0x81: {  	[sflag:s0] =	ssyncset.done $0x0  }
0x82: {  	[sflag:s0] =	ssyncadd.s32 $0xFFFF8000  }
0x83: {  	[tilespmem:s15], [sflag:$0x2] =	stream.linear.gather [hbm4b:s9+s2], $0x8000, $0x38;
	[tilespmem:$0x8200] =	vst v63  }
0x84: {  	_ =	swait.ge [sflag:s14], $0x8000  }
0x85: {  	[sflag:s14] =	ssyncset.done $0x0  }
0x86: {  	[sflag:s14] =	ssyncadd.s32 $0xFFFF8000  }
0x87: {  	[hbm4b:s10+s2] =	stream.linear.scatter [tilespmem:s15], [sflag:$0x2], $0x8000, $0x38;
	[tilespmem:$0x8200] =	vst v63  }
0x88: {  	_ =	swait.ge [sflag:s14], $0x8000  }
0x89: {  	[sflag:s14] =	ssyncset.done $0x0  }
0x8a: {  	[sflag:s14] =	ssyncadd.s32 $0xFFFF8000  }
0x8b: {  	v3 =	vld [tilespmem:$0x100];
	_ =	sdelay $0x4  }
0x8c: {  	v60 =	vshll.u32 v3, $0x3  }
0x8d: {  	v3 =	vand.u32 $0x7, v3;
	v4 =	vand.u32 $0xFFFFFFC0, v60  }
0x8e: {  	v3 =	vor.u32 v3, v4  }
0x8f: {  	v4 =	vperm.xlane v3, v0;
	_ =	sdelay $0x1  }
0x90: {  	v4 =	vadd.s32 v1, v4;
	_ =	sdelay $0x4  }
0x91: {  	[hbm4b:s3+s2] =	stream.indirect_vreg.scatter [tilespmem:s15], [sflag:$0x1], $0x80, v4, vm0, $0xb8;
	[tilespmem:$0x8200] =	vst v63  }
0x92: {  	v3 =	vperm.xlane v3, v2  }
0x93: {  	[hbm4b:s5+s2] =	stream.indirect_vreg.scatter [tilespmem:s16], [sflag:$0x1], $0x80, v4, vm0, $0xb8;
	[tilespmem:$0x8200] =	vst v63  }
0x94: {  	v3 =	vadd.s32 v1, v3  }
0x95: {  	[hbm4b:s6+s2] =	stream.indirect_vreg.scatter [tilespmem:s17], [sflag:$0x1], $0x80, v4, vm0, $0xb8;
	[tilespmem:$0x8200] =	vst v63  }
0x96: {  	_ = 	snop  }
0x97: {  	[hbm4b:s7+s2] =	stream.indirect_vreg.scatter [tilespmem:s18], [sflag:$0x1], $0x80, v4, vm0, $0xb8;
	[tilespmem:$0x8200] =	vst v63  }
0x98: {  	_ = 	snop  }
0x99: {  	[hbm4b:s3+s2] =	stream.indirect_vreg.scatter [tilespmem:s19], [sflag:$0x1], $0x80, v3, vm0, $0xb8;
	[tilespmem:$0x8200] =	vst v63  }
0x9a: {  	_ = 	snop  }
0x9b: {  	[hbm4b:s5+s2] =	stream.indirect_vreg.scatter [tilespmem:s20], [sflag:$0x1], $0x80, v3, vm0, $0xb8;
	[tilespmem:$0x8200] =	vst v63  }
0x9c: {  	_ = 	snop  }
0x9d: {  	[hbm4b:s6+s2] =	stream.indirect_vreg.scatter [tilespmem:s21], [sflag:$0x1], $0x80, v3, vm0, $0xb8;
	[tilespmem:$0x8200] =	vst v63  }
0x9e: {  	_ = 	snop  }
0x9f: {  	[hbm4b:s7+s2] =	stream.indirect_vreg.scatter [tilespmem:s22], [sflag:$0x1], $0x80, v3, vm0, $0xb8;
	[tilespmem:$0x8200] =	vst v63  }
0xa0: {  	v3 =	vld [tilespmem:$0x110];
	_ =	sdelay $0x4  }
0xa1: {  	v61 =	vshll.u32 v3, $0x3  }
0xa2: {  	v3 =	vand.u32 $0x7, v3;
	v4 =	vand.u32 $0xFFFFFFC0, v61  }
0xa3: {  	v3 =	vor.u32 v3, v4  }
0xa4: {  	v4 =	vperm.xlane v3, v0;
	_ =	sdelay $0x1  }
0xa5: {  	v4 =	vadd.s32 v1, v4;
	_ =	sdelay $0x4  }
0xa6: {  	[hbm4b:s3+s2] =	stream.indirect_vreg.scatter [tilespmem:s23], [sflag:$0x1], $0x80, v4, vm0, $0xb8;
	[tilespmem:$0x8200] =	vst v63  }
0xa7: {  	v3 =	vperm.xlane v3, v2  }
0xa8: {  	[hbm4b:s5+s2] =	stream.indirect_vreg.scatter [tilespmem:s24], [sflag:$0x1], $0x80, v4, vm0, $0xb8;
	[tilespmem:$0x8200] =	vst v63  }
0xa9: {  	v3 =	vadd.s32 v1, v3  }
0xaa: {  	[hbm4b:s6+s2] =	stream.indirect_vreg.scatter [tilespmem:s25], [sflag:$0x1], $0x80, v4, vm0, $0xb8;
	[tilespmem:$0x8200] =	vst v63  }
0xab: {  	_ = 	snop  }
0xac: {  	[hbm4b:s7+s2] =	stream.indirect_vreg.scatter [tilespmem:s26], [sflag:$0x1], $0x80, v4, vm0, $0xb8;
	[tilespmem:$0x8200] =	vst v63  }
0xad: {  	_ = 	snop  }
0xae: {  	[hbm4b:s3+s2] =	stream.indirect_vreg.scatter [tilespmem:s28], [sflag:$0x1], $0x80, v3, vm0, $0xb8;
	[tilespmem:$0x8200] =	vst v63  }
0xaf: {  	_ = 	snop  }
0xb0: {  	[hbm4b:s5+s2] =	stream.indirect_vreg.scatter [tilespmem:s29], [sflag:$0x1], $0x80, v3, vm0, $0xb8;
	[tilespmem:$0x8200] =	vst v63  }
0xb1: {  	_ = 	snop  }
0xb2: {  	[hbm4b:s6+s2] =	stream.indirect_vreg.scatter [tilespmem:s30], [sflag:$0x1], $0x80, v3, vm0, $0xb8;
	[tilespmem:$0x8200] =	vst v63  }
0xb3: {  	_ = 	snop  }
0xb4: {  	[hbm4b:s7+s2] =	stream.indirect_vreg.scatter [tilespmem:s31], [sflag:$0x1], $0x80, v3, vm0, $0xb8;
	[tilespmem:$0x8200] =	vst v63  }
0xb5: {  	_ =	swait.ge [sflag:s0], $0x8000  }
0xb6: {  	[sflag:s0] =	ssyncset.done $0x0  }
0xb7: {  	[sflag:s0] =	ssyncadd.s32 $0xFFFF8000  }
0xb8: {  	[tilespmem:s15], [sflag:$0x2] =	stream.linear.gather [hbm4b:s11+s2], $0x8000, $0x38;
	[tilespmem:$0x8200] =	vst v63  }
0xb9: {  	_ =	swait.ge [sflag:s14], $0x8000  }
0xba: {  	[sflag:s14] =	ssyncset.done $0x0  }
0xbb: {  	[sflag:s14] =	ssyncadd.s32 $0xFFFF8000  }
0xbc: {  	[hbm4b:s12+s2] =	stream.linear.scatter [tilespmem:s15], [sflag:$0x2], $0x8000, $0x38;
	[tilespmem:$0x8200] =	vst v63  }
0xbd: {  	_ =	swait.ge [sflag:s14], $0x8000  }
0xbe: {  	[sflag:s14] =	ssyncset.done $0x0  }
0xbf: {  	[sflag:s14] =	ssyncadd.s32 $0xFFFF8000  }
0xc0: {  	v3 =	vld [tilespmem:$0x180];
	_ =	sdelay $0x4  }
0xc1: {  	v62 =	vshll.u32 v3, $0x3  }
0xc2: {  	v3 =	vand.u32 $0x7, v3;
	v4 =	vand.u32 $0xFFFFFFC0, v62  }
0xc3: {  	v3 =	vor.u32 v3, v4  }
0xc4: {  	v4 =	vperm.xlane v3, v0;
	_ =	sdelay $0x1  }
0xc5: {  	v4 =	vadd.s32 v1, v4;
	_ =	sdelay $0x4  }
0xc6: {  	[hbm4b:s3+s2] =	stream.indirect_vreg.scatter [tilespmem:s15], [sflag:$0x1], $0x80, v4, vm0, $0xb8;
	[tilespmem:$0x8200] =	vst v63  }
0xc7: {  	v3 =	vperm.xlane v3, v2  }
0xc8: {  	[hbm4b:s5+s2] =	stream.indirect_vreg.scatter [tilespmem:s16], [sflag:$0x1], $0x80, v4, vm0, $0xb8;
	[tilespmem:$0x8200] =	vst v63  }
0xc9: {  	v3 =	vadd.s32 v1, v3  }
0xca: {  	[hbm4b:s6+s2] =	stream.indirect_vreg.scatter [tilespmem:s17], [sflag:$0x1], $0x80, v4, vm0, $0xb8;
	[tilespmem:$0x8200] =	vst v63  }
0xcb: {  	_ = 	snop  }
0xcc: {  	[hbm4b:s7+s2] =	stream.indirect_vreg.scatter [tilespmem:s18], [sflag:$0x1], $0x80, v4, vm0, $0xb8;
	[tilespmem:$0x8200] =	vst v63  }
0xcd: {  	_ = 	snop  }
0xce: {  	[hbm4b:s3+s2] =	stream.indirect_vreg.scatter [tilespmem:s19], [sflag:$0x1], $0x80, v3, vm0, $0xb8;
	[tilespmem:$0x8200] =	vst v63  }
0xcf: {  	_ = 	snop  }
0xd0: {  	[hbm4b:s5+s2] =	stream.indirect_vreg.scatter [tilespmem:s20], [sflag:$0x1], $0x80, v3, vm0, $0xb8;
	[tilespmem:$0x8200] =	vst v63  }
0xd1: {  	_ = 	snop  }
0xd2: {  	[hbm4b:s6+s2] =	stream.indirect_vreg.scatter [tilespmem:s21], [sflag:$0x1], $0x80, v3, vm0, $0xb8;
	[tilespmem:$0x8200] =	vst v63  }
0xd3: {  	_ = 	snop  }
0xd4: {  	[hbm4b:s7+s2] =	stream.indirect_vreg.scatter [tilespmem:s22], [sflag:$0x1], $0x80, v3, vm0, $0xb8;
	[tilespmem:$0x8200] =	vst v63  }
0xd5: {  	v3 =	vld [tilespmem:$0x190];
	_ =	sdelay $0x4  }
0xd6: {  	v63 =	vshll.u32 v3, $0x3  }
0xd7: {  	v3 =	vand.u32 $0x7, v3;
	v4 =	vand.u32 $0xFFFFFFC0, v63  }
0xd8: {  	v3 =	vor.u32 v3, v4  }
0xd9: {  	v4 =	vperm.xlane v3, v0;
	_ =	sdelay $0x1  }
0xda: {  	v4 =	vadd.s32 v1, v4;
	_ =	sdelay $0x4  }
0xdb: {  	[hbm4b:s3+s2] =	stream.indirect_vreg.scatter [tilespmem:s23], [sflag:$0x1], $0x80, v4, vm0, $0xb8;
	[tilespmem:$0x8200] =	vst v63  }
0xdc: {  	v3 =	vperm.xlane v3, v2  }
0xdd: {  	[hbm4b:s5+s2] =	stream.indirect_vreg.scatter [tilespmem:s24], [sflag:$0x1], $0x80, v4, vm0, $0xb8;
	[tilespmem:$0x8200] =	vst v63  }
0xde: {  	v3 =	vadd.s32 v1, v3  }
0xdf: {  	[hbm4b:s6+s2] =	stream.indirect_vreg.scatter [tilespmem:s25], [sflag:$0x1], $0x80, v4, vm0, $0xb8;
	[tilespmem:$0x8200] =	vst v63  }
0xe0: {  	_ = 	snop  }
0xe1: {  	[hbm4b:s7+s2] =	stream.indirect_vreg.scatter [tilespmem:s26], [sflag:$0x1], $0x80, v4, vm0, $0xb8;
	[tilespmem:$0x8200] =	vst v63  }
0xe2: {  	_ = 	snop  }
0xe3: {  	[hbm4b:s3+s2] =	stream.indirect_vreg.scatter [tilespmem:s28], [sflag:$0x1], $0x80, v3, vm0, $0xb8;
	[tilespmem:$0x8200] =	vst v63  }
0xe4: {  	_ = 	snop  }
0xe5: {  	[hbm4b:s5+s2] =	stream.indirect_vreg.scatter [tilespmem:s29], [sflag:$0x1], $0x80, v3, vm0, $0xb8;
	[tilespmem:$0x8200] =	vst v63  }
0xe6: {  	p0 =	sne.s32 s13, $0x1  }
0xe7: {  	[hbm4b:s6+s2] =	stream.indirect_vreg.scatter [tilespmem:s30], [sflag:$0x1], $0x80, v3, vm0, $0xb8;
	[tilespmem:$0x8200] =	vst v63  }
.Ltmp0:
0xe8: {  	_ = 	snop;
	(pc) =	sbr.rel @p0 .LBB2_1-.Ltmp0, $4  }
0xe9: {  	[hbm4b:s7+s2] =	stream.indirect_vreg.scatter [tilespmem:s31], [sflag:$0x1], $0x80, v3, vm0, $0xb8;
	[tilespmem:$0x8200] =	vst v63  }
0xea: {  	_ =	swait.ge [sflag:s0], $0x8000  }
0xeb: {  	[sflag:s0] =	ssyncset.done $0x0  }
0xec: {  	s13 =	sadd.s32 $0xFFFFFFFF, s13;
	[sflag:s0] =	ssyncadd.s32 $0xFFFF8000  }
0xed: {  	_ =	sfence.sel $0x180000  }
0xee: {  	[bflag:$0x0] =	sbarrier.arrive $0xFFFF  }
0xef: {  	_ =	strace $0x90000047  }
0xf0: {  	s0 =	stileid.u32;
	[bflag:$0x2] =	sbarrier.arrive $0xFFFF  }
0xf1: {  	p0 =	sne.s32 s0, $0x0;
	s0 =	rddreg [dreg:$0x3]  }
0xf2: {  	s0 =	sadd.s32 @!p0 $0x100000, s0  }
0xf3: {  	[sflag:s0] =	ssyncadd.tile.s32 @!p0 $0x1;
	_ =	shalt  }
.Lfunc_end2:
_tile_overlayer_lowered:
.L_overlay_start_2:
0xf4: {  	(tag) =	ssettag $0x2  }
0xf5: {  	s0 =	rddreg [dreg:$0x0];
	s2 =	stileid.u32  }
0xf6: {  	s1 =	rddreg [dreg:$0x1];
	p0 =	sne.s32 s2, $0x0  }
0xf7: {  	s3 =	rddreg [dreg:$0x2];
	[bflag:$0x3] =	sbarrier.arrive $0xFFFF;
	s2 =	simm.s32 @!p0 $0x1C02  }
0xf8: {  	[timem:s3], [sflag:s2] =	dma.local @!p0 [hbm:s0], s1  }
0xf9: {  	s0 =	simm.s32 @!p0 $0x2  }
0xfa: {  	_ =	swait.ge @!p0 [sflag:s0], s1  }
0xfb: {  	s1 =	ssub.s32 @!p0 $0x0, s1;
	[sflag:s0] =	ssyncset.done @!p0 $0x0  }
0xfc: {  	[sflag:s0] =	ssyncadd.s32 @!p0 s1  }
0xfd: {  	[bflag:$0x3] =	sbarrier.arrive $0xFFFF  }
0xfe: {  	_ =	shalt  }

// kernel: kernel.9.cloned.1.call-start
scs
__scs_entry_jumppad:
0x0: {  	(pc) =	sbr.rel $0x88, $3  }
0x1: {  	(tag) =	ssettag $0x0;
	lr =	simm.s32 $0x1  }
0x2: {  	[smem:$0x3F9A] =	sst lr;
	_ =	strace $0xD0000000  }
0x3: {  	_ = 	snop  }
0x4: {  	_ = 	snop  }
0x5: {  	_ = 	snop  }
0x6: {  	_ = 	snop  }
0x7: {  	_ = 	snop  }
__scs_overlays_trampoline_lowered:
0x8: {  	[smem:$0x3FA9] =	sst s0  }
0x9: {  	[smem:$0x3FAA] =	sst s1  }
0xa: {  	[smem:$0x3FAB] =	sst s2  }
0xb: {  	[smem:$0x3FAC] =	sst s3  }
0xc: {  	[smem:$0x3FAD] =	sst s4  }
0xd: {  	[smem:$0x3FAE] =	sst s5  }
0xe: {  	[smem:$0x3FAF] =	sst s6  }
0xf: {  	[smem:$0x3FB0] =	sst s7  }
0x10: {  	[smem:$0x3FB1] =	sst s8  }
0x11: {  	[smem:$0x3FB2] =	sst s9;
	s0 =	simm.s32 @!p0 $0x0  }
0x12: {  	s1 =	sld [smem:$0x3F98];
	s0 =	simm.s32 @p0 $0x1  }
0x13: {  	[smem:$0x3FB3] =	sst s0;
	s0 =	simm.s32 @!p1 $0x0  }
0x14: {  	s2 =	sld [smem:$0x3F97];
	s0 =	simm.s32 @p1 $0x1  }
0x15: {  	[smem:$0x3FB4] =	sst s0;
	s0 =	simm.s32 @!p2 $0x0  }
0x16: {  	s3 =	sld [smem:$0x3FDB];
	s0 =	simm.s32 @p2 $0x1  }
0x17: {  	s4 =	simm.s32 $0x1BF5;
	[smem:$0x3FB6] =	sst s0  }
0x18: {  	s0 =	sld [smem:$0x3F99];
	_ =	swait.ge [sflag:s4], $0x0  }
0x19: {  	s7 =	sld [smem:$0x3F9A]  }
0x1a: {  	s8 =	sadd.s32 $0xFFFFE003, lr  }
0x1b: {  	s9 =	sadd.s32 $0xFFFFFEF7, lr;
	s5 =	simm.s32 $0xFFFFFFFF;
	p2 =	slt.u32 s8, $0xFFFFF086  }
0x1c: {  	p1 =	slt.u32 s9, $0xF7A;
	s5 =	simm.s32 @!p2 $0x0  }
0x1d: {  	s5 =	simm.s32 @p1 $0x1;
	p0 =	seq.s32 s7, s2  }
0x1e: {  	s7 =	smul.u32 @!p0 $0xF7A, s2;
	p2 =	seq.s32 @!p0 s5, $0x0  }
0x1f: {  	s9 =	smul.u32 $0xF7A, s1;
	s8 =	simm.s32 @!p0 $0x1BF5;
	p2 =	por !p2, p0  }
0x20: {  	[sflag:s8] =	ssyncset.s32 @!p0 $0xFFFFF086;
	s6 =	sadd.s32 @!p0 s3, s7;
	s7 =	simm.s32 @!p0 $0x108  }
0x21: {  	s3 =	sadd.s32 s3, s9;
	s6 =	sadd.s32 @!p0 $0x88, s6;
	s7 =	simm.s32 @p2 $0x1082  }
0x22: {  	[simem:s7], [sflag:s8] =	dma.local @!p0 [hbm:s6], $0xF7A  }
0x23: {  	s9 =	sor.u32 $0xD0000000, s2;
	s6 =	simm.s32 $0x108;
	_ =	swait.ge @!p0 [sflag:s8], $0x0  }
0x24: {  	s3 =	sadd.s32 $0x88, s3;
	s6 =	simm.s32 @!p1 $0x1082;
	[sflag:s4] =	ssyncset.s32 $0xFFFFF086  }
0x25: {  	[simem:s6], [sflag:s4] =	dma.local [hbm:s3], $0xF7A  }
0x26: {  	[smem:$0x3F9A] =	sst s1;
	(tag) =	ssettag s2;
	_ =	strace s9  }
0x27: {  	s1 =	sld [smem:$0x3FAA]  }
0x28: {  	s2 =	sld [smem:$0x3FAB]  }
0x29: {  	s4 =	sld [smem:$0x3FAD]  }
0x2a: {  	p0 =	seq.s32 s5, $0x0;
	s5 =	sld [smem:$0x3FAE]  }
0x2b: {  	s6 =	sld [smem:$0x3FAF]  }
0x2c: {  	s7 =	sld [smem:$0x3FB0]  }
0x2d: {  	s3 =	simm.s32 $0x108;
	s8 =	sld [smem:$0x3FB1]  }
0x2e: {  	s3 =	simm.s32 @!p0 $0x1082;
	s9 =	sld [smem:$0x3FB2]  }
0x2f: {  	lr =	sadd.s32 s0, s3;
	s0 =	sld [smem:$0x3FA9]  }
0x30: {  	s3 =	sld [smem:$0x3FAC]  }
0x31: {  	[smem:$0x3FB5] =	sst s10  }
0x32: {  	s10 =	sld [smem:$0x3FB3];
	_ =	sdelay $0x3  }
0x33: {  	p0 =	seq.s32 s10, $0x1;
	s10 =	sld [smem:$0x3FB5];
	_ =	sdelay $0x3  }
0x34: {  	[smem:$0x3FB5] =	sst s10  }
0x35: {  	s10 =	sld [smem:$0x3FB4];
	_ =	sdelay $0x3  }
0x36: {  	p1 =	seq.s32 s10, $0x1;
	s10 =	sld [smem:$0x3FB5];
	_ =	sdelay $0x3  }
0x37: {  	[smem:$0x3FB5] =	sst s10  }
0x38: {  	s10 =	sld [smem:$0x3FB6]  }
0x39: {  	_ = 	snop;
	(pc) =	sbr.ind lr, $3  }
0x3a: {  	_ = 	snop  }
0x3b: {  	_ = 	snop  }
0x3c: {  	p2 =	seq.s32 s10, $0x1;
	s10 =	sld [smem:$0x3FB5]  }
0x3d: {  	_ =	shalt  }
0x3e: {  	_ =	shalt  }
0x3f: {  	_ =	shalt  }
0x40: {  	_ =	shalt  }
0x41: {  	_ =	shalt  }
0x42: {  	_ =	shalt  }
0x43: {  	_ =	shalt  }
0x44: {  	_ =	shalt  }
0x45: {  	_ =	shalt  }
0x46: {  	_ =	shalt  }
0x47: {  	_ =	shalt  }
0x48: {  	_ =	shalt  }
0x49: {  	_ =	shalt  }
0x4a: {  	_ =	shalt  }
0x4b: {  	_ =	shalt  }
0x4c: {  	_ =	shalt  }
0x4d: {  	_ =	shalt  }
0x4e: {  	_ =	shalt  }
0x4f: {  	_ =	shalt  }
0x50: {  	_ =	shalt  }
0x51: {  	_ =	shalt  }
0x52: {  	_ =	shalt  }
0x53: {  	_ =	shalt  }
0x54: {  	_ =	shalt  }
0x55: {  	_ =	shalt  }
0x56: {  	_ =	shalt  }
0x57: {  	_ =	shalt  }
0x58: {  	_ =	shalt  }
0x59: {  	_ =	shalt  }
0x5a: {  	_ =	shalt  }
0x5b: {  	_ =	shalt  }
0x5c: {  	_ =	shalt  }
0x5d: {  	_ =	shalt  }
0x5e: {  	_ =	shalt  }
0x5f: {  	_ =	shalt  }
0x60: {  	_ =	shalt  }
0x61: {  	_ =	shalt  }
0x62: {  	_ =	shalt  }
0x63: {  	_ =	shalt  }
0x64: {  	_ =	shalt  }
0x65: {  	_ =	shalt  }
0x66: {  	_ =	shalt  }
0x67: {  	_ =	shalt  }
0x68: {  	_ =	shalt  }
0x69: {  	_ =	shalt  }
0x6a: {  	_ =	shalt  }
0x6b: {  	_ =	shalt  }
0x6c: {  	_ =	shalt  }
0x6d: {  	_ =	shalt  }
0x6e: {  	_ =	shalt  }
0x6f: {  	_ =	shalt  }
0x70: {  	_ =	shalt  }
0x71: {  	_ =	shalt  }
0x72: {  	_ =	shalt  }
0x73: {  	_ =	shalt  }
0x74: {  	_ =	shalt  }
0x75: {  	_ =	shalt  }
0x76: {  	_ =	shalt  }
0x77: {  	_ =	shalt  }
0x78: {  	_ =	shalt  }
0x79: {  	_ =	shalt  }
0x7a: {  	_ =	shalt  }
0x7b: {  	_ =	shalt  }
0x7c: {  	_ =	shalt  }
0x7d: {  	_ =	shalt  }
0x7e: {  	_ =	shalt  }
0x7f: {  	_ =	shalt  }
0x80: {  	_ =	shalt  }
0x81: {  	_ =	shalt  }
0x82: {  	_ =	shalt  }
0x83: {  	_ =	shalt  }
0x84: {  	_ =	shalt  }
0x85: {  	_ =	shalt  }
0x86: {  	_ =	shalt  }
0x87: {  	_ =	shalt  }
.Lfunc_end0:
.L_simem_size_0:
called_computation.1_lowered:
.L_overlay_start_0:
0x88: {  	s2 =	sld [smem:$0x3FD9]  }
0x89: {  	s3 =	sld [smem:$0x3FFE];
	_ =	sdelay $0x1  }
0x8a: {  	s1 =	srdreg.scid  }
0x8b: {  	s0 =	sand.u32 $0x1, s1  }
0x8c: {  	s14 =	sshll.u32 s0, $0xA;
	s2 =	sadd.s32 s3, s2  }
0x8d: {  	s2 =	sadd.s32 s2, s14  }
0x8e: {  	[smem:$0x3FC1] =	sst s2  }
0x8f: {  	_ = 	snop  }
0x90: {  	s2 =	sld [smem:$0x3FD0];
	_ =	sdelay $0x2  }
0x91: {  	s15 =	simm.s32 $0xA;
	s4 =	simm.s32 $0x10  }
0x92: {  	[smem:s4], [sflag:s15] =	dma.local [hbm:s2], $0x1  }
0x93: {  	_ =	swait.eq [sflag:s15], $0x1  }
0x94: {  	[sflag:s15] =	ssyncset.done $0x0  }
0x95: {  	[sflag:s15] =	ssyncadd.s32 $0xFFFFFFFF  }
0x96: {  	s16 =	sld [smem:$0x10];
	(tm) =	ssettm $0x1  }
0x97: {  	s17 =	sld [smem:$0x3FFB];
	_ =	sdelay $0x3  }
0x98: {  	_ =	strace s17  }
0x99: {  	s3 =	sld [smem:$0x3FFC];
	_ =	sdelay $0x3  }
0x9a: {  	_ =	strace s3  }
0x9b: {  	s3 =	sld [smem:$0x3FFD];
	_ =	sdelay $0x3  }
0x9c: {  	_ =	strace s3  }
0x9d: {  	_ =	strace $0x8FFFFFFF  }
0x9e: {  	s18 =	sld [smem:$0x3FDB];
	_ =	sdelay $0x1  }
0x9f: {  	s19 =	simm.s32 $_scs_section_size  }
0xa0: {  	s5 =	simm.s32 $_size__tile_overlayer_lowered;
	s6 =	simm.s32 $_tile_overlayer_lowered  }
0xa1: {  	s22 =	simm.s32 $0x1BFF;
	s21 =	sshll.u32 s6, $0x1;
	s3 =	sadd.s32 s19, s18  }
0xa2: {  	s7 =	simm.s32 $0x0;
	s20 =	sshll.u32 s5, $0x1;
	s5 =	sadd.s32 s21, s3  }
0xa3: {  	[timem:s7], [sflag:s22] =	dma.local [hbm:s5], s20  }
0xa4: {  	_ =	swait.ge [sflag:s22], s20  }
0xa5: {  	s4 =	ssub.s32 $0x0, s20;
	[sflag:s22] =	ssyncset.done $0x0  }
0xa6: {  	[sflag:s22] =	ssyncadd.s32 s4;
	_ =	sdelay $0x1  }
0xa7: {  	s23 =	simm.s32 $0x1B8B  }
0xa8: {  	_ =	swait.ge [sflag:s23], $0x1  }
0xa9: {  	[sflag:s23] =	ssyncset.done $0x0  }
0xaa: {  	s25 =	simm.s32 $0x1B8E;
	s24 =	sld [smem:$0x3FFE];
	[sflag:s23] =	ssyncadd.s32 $0xFFFFFFFF  }
0xab: {  	s26 =	simm.s32 $execute0_lowered;
	[smem:$0x3FD2] =	sst s25  }
0xac: {  	s5 =	sshll.u32 s26, $0x1;
	_ =	strace $0x80000049;
	[dreg:$0x1] =	wrdreg $0xFFFFFFFF  }
0xad: {  	s28 =	simm.s32 $_size_execute0_lowered;
	s3 =	sadd.s32 s3, s5;
	[dreg:$0x0] =	wrdreg $0x0  }
0xae: {  	s5 =	sshll.u32 s28, $0x1;
	[dreg:$0x2] =	wrdreg s3  }
0xaf: {  	[dreg:$0x3] =	wrdreg s5  }
0xb0: {  	[dreg:$0x4] =	wrdreg $0xC0  }
0xb1: {  	_ =	task [dreg:s7], $0x5FFFF  }
0xb2: {  	[dreg:$0x1] =	wrdreg $0xFFFFFFFF  }
0xb3: {  	[dreg:$0x0] =	wrdreg $0x60  }
0xb4: {  	[dreg:$0x2] =	wrdreg s24  }
0xb5: {  	[dreg:$0x3] =	wrdreg s16  }
0xb6: {  	[dreg:$0x4] =	wrdreg $0x9  }
0xb7: {  	_ =	task.clear_ibuf [dreg:s7], $0x5FFFF;
	_ =	strace $0x90000049  }
0xb8: {  	s29 =	simm.s32 $0x9;
	_ =	strace $0x8000004B  }
0xb9: {  	_ =	swait.ge [sflag:s29], $0x1  }
0xba: {  	[sflag:s29] =	ssyncadd.s32 $0xFFFFFFFF  }
0xbb: {  	_ =	strace $0x9000004B  }
0xbc: {  	_ =	sfence  }
0xbd: {  	s30 =	sld [smem:$0x0];
	_ =	sdelay $0x2  }
0xbe: {  	s31 =	sshll.u32 s1, $0xD;
	s1 =	sshrl.u32 s1, $0x2  }
0xbf: {  	s3 =	sand.u32 $0x4000, s31;
	s1 =	sadd.s32 s1, s30  }
0xc0: {  	s0 =	sor.u32 s3, s0;
	s1 =	sshll.u32 s1, $0x11  }
0xc1: {  	s0 =	sor.u32 s1, s0  }
0xc2: {  	s0 =	sadd.s32 $0x8F2B, s0  }
0xc3: {  	[sflag:s0] =	ssyncadd.remote.s32 $0x1  }
0xc4: {  	_ =	sfence.sel $0xFFFF  }
0xc5: {  	[dreg:$0x0] =	wrdreg $0xFFFFFFFF;
	(pc) =	sbr.abs _section_cstart, $3  }
0xc6: {  	[dreg:$0x1] =	wrdreg $0xFFFFFFFF  }
0xc7: {  	_ =	task.clear_ibuf [dreg:s7], $0x2FFFF;
	_ =	strace $0x9FFFFFFF  }
0xc8: {  	(tm) =	ssettm $0x7FFFFFFF  }
0xc9: {  	_ =	shalt  }
tec
execute0_lowered:
.L_overlay_start_1:
0x0: {  	(tag) =	ssettag $0x1  }
0x1: {  	s8 =	rddreg [dreg:$0x0]  }
0x2: {  	s6 =	rddreg [dreg:$0x1]  }
0x3: {  	s0 =	rddreg [dreg:$0x2]  }
0x4: {  	s2 =	simm.s32 $0x0;
	s3 =	srdreg.scid;
	s1 =	stileid.u32  }
0x5: {  	s13 =	simm.s32 $0x2;
	s14 =	simm.s32 $0x200;
	s15 =	simm.s32 $0xA00  }
0x6: {  	s16 =	simm.s32 $0x1200;
	s17 =	simm.s32 $0x1A00;
	s18 =	simm.s32 $0x2200  }
0x7: {  	s19 =	simm.s32 $0x2A00;
	s20 =	simm.s32 $0x3200;
	s21 =	simm.s32 $0x3A00  }
0x8: {  	s22 =	simm.s32 $0x4200;
	s23 =	simm.s32 $0x4A00;
	s24 =	simm.s32 $0x5200  }
0x9: {  	s25 =	simm.s32 $0x5A00;
	s28 =	simm.s32 $0x6A00;
	s29 =	simm.s32 $0x7200  }
0xa: {  	s30 =	simm.s32 $0x7A00;
	s31 =	simm.s32 $0x1;
	[smem:$0x7FF] =	sst s2  }
0xb: {  	s3 =	sand.u32 $0x1, s3;
	s4 =	sshll.u32 s1, $0x1;
	_ =	strace $0x8000004A  }
0xc: {  	s4 =	sor.u32 s3, s4;
	s5 =	ssub.s32 $0x2, s3;
	s3 =	sadd.s32 $0x10A00, s8  }
0xd: {  	s7 =	sshll.u32 s4, $0x6;
	s9 =	sshrl.u32 s5, $0x1;
	s26 =	sshll.u32 s4, $0xE  }
0xe: {  	s7 =	sadd.s32 s7, s8;
	s12 =	ssub.s32 s5, s9;
	s5 =	sadd.s32 $0x10B00, s8  }
0xf: {  	v2 =	vlaneseq.u32;
	s6 =	sadd.s32 s6, s26;
	s26 =	simm.s32 $0x6200;
	s4 =	sadd.s32 $0x130E00, s7  }
0x10: {  	vm0 =	vmmov $0xffff;
	v1 =	vshrl.u32 v2, $0x3;
	s7 =	sadd.s32 $0x10C00, s8;
	s8 =	sadd.s32 $0x10D00, s8;
	s9 =	sadd.s32 $0x1000, s6  }
0x11: {  	v0 =	vand.u32 $0x7, v2;
	v2 =	vor.u32 $0x8, v2;
	v1 =	vmul.u32 $0x8, v1;
	s10 =	sadd.s32 $0x2000, s6;
	s11 =	sadd.s32 $0x3000, s6;
	s12 =	smax.u32 s12, $0x1  }
.LBB2_1:
0x12: {  	[tilespmem:s2], [sflag:$0x2] =	stream.linear.gather [hbm4b:s4+s2], $0x200, $0x38;
	[tilespmem:$0x8200] =	vst v63  }
0x13: {  	_ =	swait.ge [sflag:s13], $0x200  }
0x14: {  	[sflag:s13] =	ssyncset.done $0x0  }
0x15: {  	[sflag:s13] =	ssyncadd.s32 $0xFFFFFE00  }
0x16: {  	v3 =	vld [tilespmem:$0x0];
	_ =	sdelay $0x4  }
0x17: {  	v4 =	vshll.u32 v3, $0x3  }
0x18: {  	v3 =	vand.u32 $0x7, v3;
	v4 =	vand.u32 $0xFFFFFFC0, v4  }
0x19: {  	v3 =	vor.u32 v3, v4  }
0x1a: {  	v4 =	vperm.xlane v3, v0;
	_ =	sdelay $0x1  }
0x1b: {  	v4 =	vadd.s32 v1, v4;
	_ =	sdelay $0x4  }
0x1c: {  	[tilespmem:s14], [sflag:$0x1] =	stream.indirect_vreg.gather [hbm4b:s3+s2], $0x80, v4, vm0, $0xb8;
	[tilespmem:$0x8200] =	vst v63  }
0x1d: {  	v3 =	vperm.xlane v3, v2  }
0x1e: {  	[tilespmem:s15], [sflag:$0x1] =	stream.indirect_vreg.gather [hbm4b:s5+s2], $0x80, v4, vm0, $0xb8;
	[tilespmem:$0x8200] =	vst v63  }
0x1f: {  	v3 =	vadd.s32 v1, v3  }
0x20: {  	[tilespmem:s16], [sflag:$0x1] =	stream.indirect_vreg.gather [hbm4b:s7+s2], $0x80, v4, vm0, $0xb8;
	[tilespmem:$0x8200] =	vst v63  }
0x21: {  	_ = 	snop  }
0x22: {  	[tilespmem:s17], [sflag:$0x1] =	stream.indirect_vreg.gather [hbm4b:s8+s2], $0x80, v4, vm0, $0xb8;
	[tilespmem:$0x8200] =	vst v63  }
0x23: {  	_ = 	snop  }
0x24: {  	[tilespmem:s18], [sflag:$0x1] =	stream.indirect_vreg.gather [hbm4b:s3+s2], $0x80, v3, vm0, $0xb8;
	[tilespmem:$0x8200] =	vst v63  }
0x25: {  	_ = 	snop  }
0x26: {  	[tilespmem:s19], [sflag:$0x1] =	stream.indirect_vreg.gather [hbm4b:s5+s2], $0x80, v3, vm0, $0xb8;
	[tilespmem:$0x8200] =	vst v63  }
0x27: {  	_ = 	snop  }
0x28: {  	[tilespmem:s20], [sflag:$0x1] =	stream.indirect_vreg.gather [hbm4b:s7+s2], $0x80, v3, vm0, $0xb8;
	[tilespmem:$0x8200] =	vst v63  }
0x29: {  	_ = 	snop  }
0x2a: {  	[tilespmem:s21], [sflag:$0x1] =	stream.indirect_vreg.gather [hbm4b:s8+s2], $0x80, v3, vm0, $0xb8;
	[tilespmem:$0x8200] =	vst v63  }
0x2b: {  	v3 =	vld [tilespmem:$0x10];
	_ =	sdelay $0x4  }
0x2c: {  	v57 =	vshll.u32 v3, $0x3  }
0x2d: {  	v3 =	vand.u32 $0x7, v3;
	v4 =	vand.u32 $0xFFFFFFC0, v57  }
0x2e: {  	v3 =	vor.u32 v3, v4  }
0x2f: {  	v4 =	vperm.xlane v3, v0;
	_ =	sdelay $0x1  }
0x30: {  	v4 =	vadd.s32 v1, v4;
	_ =	sdelay $0x4  }
0x31: {  	[tilespmem:s22], [sflag:$0x1] =	stream.indirect_vreg.gather [hbm4b:s3+s2], $0x80, v4, vm0, $0xb8;
	[tilespmem:$0x8200] =	vst v63  }
0x32: {  	v3 =	vperm.xlane v3, v2  }
0x33: {  	[tilespmem:s23], [sflag:$0x1] =	stream.indirect_vreg.gather [hbm4b:s5+s2], $0x80, v4, vm0, $0xb8;
	[tilespmem:$0x8200] =	vst v63  }
0x34: {  	v3 =	vadd.s32 v1, v3  }
0x35: {  	[tilespmem:s24], [sflag:$0x1] =	stream.indirect_vreg.gather [hbm4b:s7+s2], $0x80, v4, vm0, $0xb8;
	[tilespmem:$0x8200] =	vst v63  }
0x36: {  	_ = 	snop  }
0x37: {  	[tilespmem:s25], [sflag:$0x1] =	stream.indirect_vreg.gather [hbm4b:s8+s2], $0x80, v4, vm0, $0xb8;
	[tilespmem:$0x8200] =	vst v63  }
0x38: {  	_ = 	snop  }
0x39: {  	[tilespmem:s26], [sflag:$0x1] =	stream.indirect_vreg.gather [hbm4b:s3+s2], $0x80, v3, vm0, $0xb8;
	[tilespmem:$0x8200] =	vst v63  }
0x3a: {  	_ = 	snop  }
0x3b: {  	[tilespmem:s28], [sflag:$0x1] =	stream.indirect_vreg.gather [hbm4b:s5+s2], $0x80, v3, vm0, $0xb8;
	[tilespmem:$0x8200] =	vst v63  }
0x3c: {  	_ = 	snop  }
0x3d: {  	[tilespmem:s29], [sflag:$0x1] =	stream.indirect_vreg.gather [hbm4b:s7+s2], $0x80, v3, vm0, $0xb8;
	[tilespmem:$0x8200] =	vst v63  }
0x3e: {  	_ = 	snop  }
0x3f: {  	[tilespmem:s30], [sflag:$0x1] =	stream.indirect_vreg.gather [hbm4b:s8+s2], $0x80, v3, vm0, $0xb8;
	[tilespmem:$0x8200] =	vst v63  }
0x40: {  	_ =	swait.ge [sflag:s31], $0x8000  }
0x41: {  	[sflag:s31] =	ssyncset.done $0x0  }
0x42: {  	[sflag:s31] =	ssyncadd.s32 $0xFFFF8000  }
0x43: {  	[hbm4b:s6+s2] =	stream.linear.scatter [tilespmem:s14], [sflag:$0x2], $0x8000, $0x38;
	[tilespmem:$0x8200] =	vst v63  }
0x44: {  	_ =	swait.ge [sflag:s13], $0x8000  }
0x45: {  	[sflag:s13] =	ssyncset.done $0x0  }
0x46: {  	[sflag:s13] =	ssyncadd.s32 $0xFFFF8000  }
0x47: {  	v3 =	vld [tilespmem:$0x80];
	_ =	sdelay $0x4  }
0x48: {  	v58 =	vshll.u32 v3, $0x3  }
0x49: {  	v3 =	vand.u32 $0x7, v3;
	v4 =	vand.u32 $0xFFFFFFC0, v58  }
0x4a: {  	v3 =	vor.u32 v3, v4  }
0x4b: {  	v4 =	vperm.xlane v3, v0;
	_ =	sdelay $0x1  }
0x4c: {  	v4 =	vadd.s32 v1, v4;
	_ =	sdelay $0x4  }
0x4d: {  	[tilespmem:s14], [sflag:$0x1] =	stream.indirect_vreg.gather [hbm4b:s3+s2], $0x80, v4, vm0, $0xb8;
	[tilespmem:$0x8200] =	vst v63  }
0x4e: {  	v3 =	vperm.xlane v3, v2  }
0x4f: {  	[tilespmem:s15], [sflag:$0x1] =	stream.indirect_vreg.gather [hbm4b:s5+s2], $0x80, v4, vm0, $0xb8;
	[tilespmem:$0x8200] =	vst v63  }
0x50: {  	v3 =	vadd.s32 v1, v3  }
0x51: {  	[tilespmem:s16], [sflag:$0x1] =	stream.indirect_vreg.gather [hbm4b:s7+s2], $0x80, v4, vm0, $0xb8;
	[tilespmem:$0x8200] =	vst v63  }
0x52: {  	_ = 	snop  }
0x53: {  	[tilespmem:s17], [sflag:$0x1] =	stream.indirect_vreg.gather [hbm4b:s8+s2], $0x80, v4, vm0, $0xb8;
	[tilespmem:$0x8200] =	vst v63  }
0x54: {  	_ = 	snop  }
0x55: {  	[tilespmem:s18], [sflag:$0x1] =	stream.indirect_vreg.gather [hbm4b:s3+s2], $0x80, v3, vm0, $0xb8;
	[tilespmem:$0x8200] =	vst v63  }
0x56: {  	_ = 	snop  }
0x57: {  	[tilespmem:s19], [sflag:$0x1] =	stream.indirect_vreg.gather [hbm4b:s5+s2], $0x80, v3, vm0, $0xb8;
	[tilespmem:$0x8200] =	vst v63  }
0x58: {  	_ = 	snop  }
0x59: {  	[tilespmem:s20], [sflag:$0x1] =	stream.indirect_vreg.gather [hbm4b:s7+s2], $0x80, v3, vm0, $0xb8;
	[tilespmem:$0x8200] =	vst v63  }
0x5a: {  	_ = 	snop  }
0x5b: {  	[tilespmem:s21], [sflag:$0x1] =	stream.indirect_vreg.gather [hbm4b:s8+s2], $0x80, v3, vm0, $0xb8;
	[tilespmem:$0x8200] =	vst v63  }
0x5c: {  	v3 =	vld [tilespmem:$0x90];
	_ =	sdelay $0x4  }
0x5d: {  	v59 =	vshll.u32 v3, $0x3  }
0x5e: {  	v3 =	vand.u32 $0x7, v3;
	v4 =	vand.u32 $0xFFFFFFC0, v59  }
0x5f: {  	v3 =	vor.u32 v3, v4  }
0x60: {  	v4 =	vperm.xlane v3, v0;
	_ =	sdelay $0x1  }
0x61: {  	v4 =	vadd.s32 v1, v4;
	_ =	sdelay $0x4  }
0x62: {  	[tilespmem:s22], [sflag:$0x1] =	stream.indirect_vreg.gather [hbm4b:s3+s2], $0x80, v4, vm0, $0xb8;
	[tilespmem:$0x8200] =	vst v63  }
0x63: {  	v3 =	vperm.xlane v3, v2  }
0x64: {  	[tilespmem:s23], [sflag:$0x1] =	stream.indirect_vreg.gather [hbm4b:s5+s2], $0x80, v4, vm0, $0xb8;
	[tilespmem:$0x8200] =	vst v63  }
0x65: {  	v3 =	vadd.s32 v1, v3  }
0x66: {  	[tilespmem:s24], [sflag:$0x1] =	stream.indirect_vreg.gather [hbm4b:s7+s2], $0x80, v4, vm0, $0xb8;
	[tilespmem:$0x8200] =	vst v63  }
0x67: {  	_ = 	snop  }
0x68: {  	[tilespmem:s25], [sflag:$0x1] =	stream.indirect_vreg.gather [hbm4b:s8+s2], $0x80, v4, vm0, $0xb8;
	[tilespmem:$0x8200] =	vst v63  }
0x69: {  	_ = 	snop  }
0x6a: {  	[tilespmem:s26], [sflag:$0x1] =	stream.indirect_vreg.gather [hbm4b:s3+s2], $0x80, v3, vm0, $0xb8;
	[tilespmem:$0x8200] =	vst v63  }
0x6b: {  	_ = 	snop  }
0x6c: {  	[tilespmem:s28], [sflag:$0x1] =	stream.indirect_vreg.gather [hbm4b:s5+s2], $0x80, v3, vm0, $0xb8;
	[tilespmem:$0x8200] =	vst v63  }
0x6d: {  	_ = 	snop  }
0x6e: {  	[tilespmem:s29], [sflag:$0x1] =	stream.indirect_vreg.gather [hbm4b:s7+s2], $0x80, v3, vm0, $0xb8;
	[tilespmem:$0x8200] =	vst v63  }
0x6f: {  	_ = 	snop  }
0x70: {  	[tilespmem:s30], [sflag:$0x1] =	stream.indirect_vreg.gather [hbm4b:s8+s2], $0x80, v3, vm0, $0xb8;
	[tilespmem:$0x8200] =	vst v63  }
0x71: {  	_ =	swait.ge [sflag:s31], $0x8000  }
0x72: {  	[sflag:s31] =	ssyncset.done $0x0  }
0x73: {  	[sflag:s31] =	ssyncadd.s32 $0xFFFF8000  }
0x74: {  	[hbm4b:s9+s2] =	stream.linear.scatter [tilespmem:s14], [sflag:$0x2], $0x8000, $0x38;
	[tilespmem:$0x8200] =	vst v63  }
0x75: {  	_ =	swait.ge [sflag:s13], $0x8000  }
0x76: {  	[sflag:s13] =	ssyncset.done $0x0  }
0x77: {  	[sflag:s13] =	ssyncadd.s32 $0xFFFF8000  }
0x78: {  	v3 =	vld [tilespmem:$0x100];
	_ =	sdelay $0x4  }
0x79: {  	v60 =	vshll.u32 v3, $0x3  }
0x7a: {  	v3 =	vand.u32 $0x7, v3;
	v4 =	vand.u32 $0xFFFFFFC0, v60  }
0x7b: {  	v3 =	vor.u32 v3, v4  }
0x7c: {  	v4 =	vperm.xlane v3, v0;
	_ =	sdelay $0x1  }
0x7d: {  	v4 =	vadd.s32 v1, v4;
	_ =	sdelay $0x4  }
0x7e: {  	[tilespmem:s14], [sflag:$0x1] =	stream.indirect_vreg.gather [hbm4b:s3+s2], $0x80, v4, vm0, $0xb8;
	[tilespmem:$0x8200] =	vst v63  }
0x7f: {  	v3 =	vperm.xlane v3, v2  }
0x80: {  	[tilespmem:s15], [sflag:$0x1] =	stream.indirect_vreg.gather [hbm4b:s5+s2], $0x80, v4, vm0, $0xb8;
	[tilespmem:$0x8200] =	vst v63  }
0x81: {  	v3 =	vadd.s32 v1, v3  }
0x82: {  	[tilespmem:s16], [sflag:$0x1] =	stream.indirect_vreg.gather [hbm4b:s7+s2], $0x80, v4, vm0, $0xb8;
	[tilespmem:$0x8200] =	vst v63  }
0x83: {  	_ = 	snop  }
0x84: {  	[tilespmem:s17], [sflag:$0x1] =	stream.indirect_vreg.gather [hbm4b:s8+s2], $0x80, v4, vm0, $0xb8;
	[tilespmem:$0x8200] =	vst v63  }
0x85: {  	_ = 	snop  }
0x86: {  	[tilespmem:s18], [sflag:$0x1] =	stream.indirect_vreg.gather [hbm4b:s3+s2], $0x80, v3, vm0, $0xb8;
	[tilespmem:$0x8200] =	vst v63  }
0x87: {  	_ = 	snop  }
0x88: {  	[tilespmem:s19], [sflag:$0x1] =	stream.indirect_vreg.gather [hbm4b:s5+s2], $0x80, v3, vm0, $0xb8;
	[tilespmem:$0x8200] =	vst v63  }
0x89: {  	_ = 	snop  }
0x8a: {  	[tilespmem:s20], [sflag:$0x1] =	stream.indirect_vreg.gather [hbm4b:s7+s2], $0x80, v3, vm0, $0xb8;
	[tilespmem:$0x8200] =	vst v63  }
0x8b: {  	_ = 	snop  }
0x8c: {  	[tilespmem:s21], [sflag:$0x1] =	stream.indirect_vreg.gather [hbm4b:s8+s2], $0x80, v3, vm0, $0xb8;
	[tilespmem:$0x8200] =	vst v63  }
0x8d: {  	v3 =	vld [tilespmem:$0x110];
	_ =	sdelay $0x4  }
0x8e: {  	v61 =	vshll.u32 v3, $0x3  }
0x8f: {  	v3 =	vand.u32 $0x7, v3;
	v4 =	vand.u32 $0xFFFFFFC0, v61  }
0x90: {  	v3 =	vor.u32 v3, v4  }
0x91: {  	v4 =	vperm.xlane v3, v0;
	_ =	sdelay $0x1  }
0x92: {  	v4 =	vadd.s32 v1, v4;
	_ =	sdelay $0x4  }
0x93: {  	[tilespmem:s22], [sflag:$0x1] =	stream.indirect_vreg.gather [hbm4b:s3+s2], $0x80, v4, vm0, $0xb8;
	[tilespmem:$0x8200] =	vst v63  }
0x94: {  	v3 =	vperm.xlane v3, v2  }
0x95: {  	[tilespmem:s23], [sflag:$0x1] =	stream.indirect_vreg.gather [hbm4b:s5+s2], $0x80, v4, vm0, $0xb8;
	[tilespmem:$0x8200] =	vst v63  }
0x96: {  	v3 =	vadd.s32 v1, v3  }
0x97: {  	[tilespmem:s24], [sflag:$0x1] =	stream.indirect_vreg.gather [hbm4b:s7+s2], $0x80, v4, vm0, $0xb8;
	[tilespmem:$0x8200] =	vst v63  }
0x98: {  	_ = 	snop  }
0x99: {  	[tilespmem:s25], [sflag:$0x1] =	stream.indirect_vreg.gather [hbm4b:s8+s2], $0x80, v4, vm0, $0xb8;
	[tilespmem:$0x8200] =	vst v63  }
0x9a: {  	_ = 	snop  }
0x9b: {  	[tilespmem:s26], [sflag:$0x1] =	stream.indirect_vreg.gather [hbm4b:s3+s2], $0x80, v3, vm0, $0xb8;
	[tilespmem:$0x8200] =	vst v63  }
0x9c: {  	_ = 	snop  }
0x9d: {  	[tilespmem:s28], [sflag:$0x1] =	stream.indirect_vreg.gather [hbm4b:s5+s2], $0x80, v3, vm0, $0xb8;
	[tilespmem:$0x8200] =	vst v63  }
0x9e: {  	_ = 	snop  }
0x9f: {  	[tilespmem:s29], [sflag:$0x1] =	stream.indirect_vreg.gather [hbm4b:s7+s2], $0x80, v3, vm0, $0xb8;
	[tilespmem:$0x8200] =	vst v63  }
0xa0: {  	_ = 	snop  }
0xa1: {  	[tilespmem:s30], [sflag:$0x1] =	stream.indirect_vreg.gather [hbm4b:s8+s2], $0x80, v3, vm0, $0xb8;
	[tilespmem:$0x8200] =	vst v63  }
0xa2: {  	_ =	swait.ge [sflag:s31], $0x8000  }
0xa3: {  	[sflag:s31] =	ssyncset.done $0x0  }
0xa4: {  	[sflag:s31] =	ssyncadd.s32 $0xFFFF8000  }
0xa5: {  	[hbm4b:s10+s2] =	stream.linear.scatter [tilespmem:s14], [sflag:$0x2], $0x8000, $0x38;
	[tilespmem:$0x8200] =	vst v63  }
0xa6: {  	_ =	swait.ge [sflag:s13], $0x8000  }
0xa7: {  	[sflag:s13] =	ssyncset.done $0x0  }
0xa8: {  	[sflag:s13] =	ssyncadd.s32 $0xFFFF8000  }
0xa9: {  	v3 =	vld [tilespmem:$0x180];
	_ =	sdelay $0x4  }
0xaa: {  	v62 =	vshll.u32 v3, $0x3  }
0xab: {  	v3 =	vand.u32 $0x7, v3;
	v4 =	vand.u32 $0xFFFFFFC0, v62  }
0xac: {  	v3 =	vor.u32 v3, v4  }
0xad: {  	v4 =	vperm.xlane v3, v0;
	_ =	sdelay $0x1  }
0xae: {  	v4 =	vadd.s32 v1, v4;
	_ =	sdelay $0x4  }
0xaf: {  	[tilespmem:s14], [sflag:$0x1] =	stream.indirect_vreg.gather [hbm4b:s3+s2], $0x80, v4, vm0, $0xb8;
	[tilespmem:$0x8200] =	vst v63  }
0xb0: {  	v3 =	vperm.xlane v3, v2  }
0xb1: {  	[tilespmem:s15], [sflag:$0x1] =	stream.indirect_vreg.gather [hbm4b:s5+s2], $0x80, v4, vm0, $0xb8;
	[tilespmem:$0x8200] =	vst v63  }
0xb2: {  	v3 =	vadd.s32 v1, v3  }
0xb3: {  	[tilespmem:s16], [sflag:$0x1] =	stream.indirect_vreg.gather [hbm4b:s7+s2], $0x80, v4, vm0, $0xb8;
	[tilespmem:$0x8200] =	vst v63  }
0xb4: {  	_ = 	snop  }
0xb5: {  	[tilespmem:s17], [sflag:$0x1] =	stream.indirect_vreg.gather [hbm4b:s8+s2], $0x80, v4, vm0, $0xb8;
	[tilespmem:$0x8200] =	vst v63  }
0xb6: {  	_ = 	snop  }
0xb7: {  	[tilespmem:s18], [sflag:$0x1] =	stream.indirect_vreg.gather [hbm4b:s3+s2], $0x80, v3, vm0, $0xb8;
	[tilespmem:$0x8200] =	vst v63  }
0xb8: {  	_ = 	snop  }
0xb9: {  	[tilespmem:s19], [sflag:$0x1] =	stream.indirect_vreg.gather [hbm4b:s5+s2], $0x80, v3, vm0, $0xb8;
	[tilespmem:$0x8200] =	vst v63  }
0xba: {  	_ = 	snop  }
0xbb: {  	[tilespmem:s20], [sflag:$0x1] =	stream.indirect_vreg.gather [hbm4b:s7+s2], $0x80, v3, vm0, $0xb8;
	[tilespmem:$0x8200] =	vst v63  }
0xbc: {  	_ = 	snop  }
0xbd: {  	[tilespmem:s21], [sflag:$0x1] =	stream.indirect_vreg.gather [hbm4b:s8+s2], $0x80, v3, vm0, $0xb8;
	[tilespmem:$0x8200] =	vst v63  }
0xbe: {  	v3 =	vld [tilespmem:$0x190];
	_ =	sdelay $0x4  }
0xbf: {  	v63 =	vshll.u32 v3, $0x3  }
0xc0: {  	v3 =	vand.u32 $0x7, v3;
	v4 =	vand.u32 $0xFFFFFFC0, v63  }
0xc1: {  	v3 =	vor.u32 v3, v4  }
0xc2: {  	v4 =	vperm.xlane v3, v0;
	_ =	sdelay $0x1  }
0xc3: {  	v4 =	vadd.s32 v1, v4;
	_ =	sdelay $0x4  }
0xc4: {  	[tilespmem:s22], [sflag:$0x1] =	stream.indirect_vreg.gather [hbm4b:s3+s2], $0x80, v4, vm0, $0xb8;
	[tilespmem:$0x8200] =	vst v63  }
0xc5: {  	v3 =	vperm.xlane v3, v2  }
0xc6: {  	[tilespmem:s23], [sflag:$0x1] =	stream.indirect_vreg.gather [hbm4b:s5+s2], $0x80, v4, vm0, $0xb8;
	[tilespmem:$0x8200] =	vst v63  }
0xc7: {  	v3 =	vadd.s32 v1, v3  }
0xc8: {  	[tilespmem:s24], [sflag:$0x1] =	stream.indirect_vreg.gather [hbm4b:s7+s2], $0x80, v4, vm0, $0xb8;
	[tilespmem:$0x8200] =	vst v63  }
0xc9: {  	_ = 	snop  }
0xca: {  	[tilespmem:s25], [sflag:$0x1] =	stream.indirect_vreg.gather [hbm4b:s8+s2], $0x80, v4, vm0, $0xb8;
	[tilespmem:$0x8200] =	vst v63  }
0xcb: {  	_ = 	snop  }
0xcc: {  	[tilespmem:s26], [sflag:$0x1] =	stream.indirect_vreg.gather [hbm4b:s3+s2], $0x80, v3, vm0, $0xb8;
	[tilespmem:$0x8200] =	vst v63  }
0xcd: {  	_ = 	snop  }
0xce: {  	[tilespmem:s28], [sflag:$0x1] =	stream.indirect_vreg.gather [hbm4b:s5+s2], $0x80, v3, vm0, $0xb8;
	[tilespmem:$0x8200] =	vst v63  }
0xcf: {  	_ = 	snop  }
0xd0: {  	[tilespmem:s29], [sflag:$0x1] =	stream.indirect_vreg.gather [hbm4b:s7+s2], $0x80, v3, vm0, $0xb8;
	[tilespmem:$0x8200] =	vst v63  }
0xd1: {  	_ = 	snop  }
0xd2: {  	[tilespmem:s30], [sflag:$0x1] =	stream.indirect_vreg.gather [hbm4b:s8+s2], $0x80, v3, vm0, $0xb8;
	[tilespmem:$0x8200] =	vst v63  }
0xd3: {  	_ =	swait.ge [sflag:s31], $0x8000  }
0xd4: {  	p0 =	sne.s32 s12, $0x1;
	[sflag:s31] =	ssyncset.done $0x0  }
.Ltmp0:
0xd5: {  	[sflag:s31] =	ssyncadd.s32 $0xFFFF8000;
	(pc) =	sbr.rel @p0 .LBB2_1-.Ltmp0, $4  }
0xd6: {  	[hbm4b:s11+s2] =	stream.linear.scatter [tilespmem:s14], [sflag:$0x2], $0x8000, $0x38;
	[tilespmem:$0x8200] =	vst v63  }
0xd7: {  	_ =	swait.ge [sflag:s13], $0x8000  }
0xd8: {  	[sflag:s13] =	ssyncset.done $0x0  }
0xd9: {  	s12 =	sadd.s32 $0xFFFFFFFF, s12;
	[sflag:s13] =	ssyncadd.s32 $0xFFFF8000  }
0xda: {  	_ =	sfence.sel $0x180000  }
0xdb: {  	[bflag:$0x0] =	sbarrier.arrive $0xFFFF  }
0xdc: {  	p0 =	sne.s32 s1, $0x0;
	_ =	strace $0x9000004A  }
0xdd: {  	s0 =	sadd.s32 @!p0 $0x100000, s0;
	[bflag:$0x2] =	sbarrier.arrive $0xFFFF  }
0xde: {  	[sflag:s0] =	ssyncadd.tile.s32 @!p0 $0x1;
	_ =	shalt  }
.Lfunc_end2:
_tile_overlayer_lowered:
.L_overlay_start_2:
0xdf: {  	(tag) =	ssettag $0x2  }
0xe0: {  	s0 =	rddreg [dreg:$0x0];
	s2 =	stileid.u32  }
0xe1: {  	s1 =	rddreg [dreg:$0x1];
	p0 =	sne.s32 s2, $0x0  }
0xe2: {  	s3 =	rddreg [dreg:$0x2];
	[bflag:$0x3] =	sbarrier.arrive $0xFFFF;
	s2 =	simm.s32 @!p0 $0x1C02  }
0xe3: {  	[timem:s3], [sflag:s2] =	dma.local @!p0 [hbm:s0], s1  }
0xe4: {  	s0 =	simm.s32 @!p0 $0x2  }
0xe5: {  	_ =	swait.ge @!p0 [sflag:s0], s1  }
0xe6: {  	s1 =	ssub.s32 @!p0 $0x0, s1;
	[sflag:s0] =	ssyncset.done @!p0 $0x0  }
0xe7: {  	[sflag:s0] =	ssyncadd.s32 @!p0 s1  }
0xe8: {  	[bflag:$0x3] =	sbarrier.arrive $0xFFFF  }
0xe9: {  	_ =	shalt  }

</sc_bundles>
